<compile_context>
chip_gen: v7x
topology: tpu7x:2x2x1
jax: 0.10.2.dev20260603
libtpu: 0.0.44.dev20260713+nightly
codegen_flags: <defaults>
</compile_context>

<pallas_src>
import functools

import jax
import jax.numpy as jnp
from jax import lax
from jax.experimental import pallas as pl
from jax.experimental.pallas import tpu as pltpu
from jax.experimental.pallas import tpu_sc as plsc

N = 8 * 512 * 512
NW = 32
ROWS = N // 128
ROWS_W = ROWS // NW
CH_ROWS = 128
NCHUNKS = ROWS_W // CH_ROWS
NB = 16384
HROWS = 4 * NB // 128

_mesh = plsc.VectorSubcoreMesh(core_axis_name="c", subcore_axis_name="s")


@functools.partial(
    pl.kernel,
    mesh=_mesh,
    compiler_params=pltpu.CompilerParams(needs_layout_passes=False),
    out_type=jax.ShapeDtypeStruct((NW * HROWS, 128), jnp.float32),
    scratch_types=[
        pltpu.VMEM((HROWS, 128), jnp.float32),
        pltpu.VMEM((CH_ROWS, 128), jnp.float32),
        pltpu.VMEM((CH_ROWS, 128), jnp.float32),
        pltpu.SemaphoreType.DMA((2,)),
    ],
)
def _sc_hist(v_hbm, out_hbm, hist_v, buf_a, buf_b, sem):
    wid = lax.axis_index("s") * 2 + lax.axis_index("c")
    base = wid * ROWS_W
    bufs = (buf_a, buf_b)

    @plsc.parallel_loop(0, HROWS * 8, unroll=8)
    def _(i):
        hist_v[i >> 3, pl.ds((i & 7) * 16, 16)] = jnp.zeros((16,), jnp.float32)

    ones16 = jnp.ones((16,), jnp.float32)

    def start(ci):
        pltpu.async_copy(v_hbm.at[pl.ds(base + ci * CH_ROWS, CH_ROWS)],
                         bufs[ci % 2], sem.at[ci % 2])

    def wait(ci):
        pltpu.make_async_copy(v_hbm.at[pl.ds(base + ci * CH_ROWS, CH_ROWS)],
                              bufs[ci % 2], sem.at[ci % 2]).wait()

    start(0)
    for ci in range(NCHUNKS):
        if ci + 1 < NCHUNKS:
            start(ci + 1)
        wait(ci)
        buf = bufs[ci % 2]

        @plsc.parallel_loop(0, CH_ROWS * 8, unroll=8)
        def _(j):
            v = buf[j >> 3, pl.ds((j & 7) * 16, 16)]
            bits = plsc.bitcast(v, jnp.int32)
            lab = bits & 1
            idx = lax.shift_right_logical(jnp.maximum(bits, 0), 17) + lab * NB
            row = lax.shift_right_logical(idx, 7)
            col = idx & 127
            r = jnp.maximum(v, 0.0)
            plsc.addupdate_scatter(hist_v, [row, col], ones16)
            plsc.addupdate_scatter(hist_v, [row + 2 * NB // 128, col], r)

    pltpu.sync_copy(hist_v, out_hbm.at[pl.ds(wid * HROWS, HROWS)])


def _tc_scan_kernel(h_ref, out_ref):
    X = jnp.sum(h_ref[...].reshape(NW, 4, 128, 128), axis=0)
    n0 = X[0]
    n1 = X[1]
    s0 = X[2]
    s1 = X[3]
    row = lax.broadcasted_iota(jnp.int32, (128, 128), 0)
    col = lax.broadcasted_iota(jnp.int32, (128, 128), 1)
    tril = (row >= col).astype(jnp.float32)
    triu1 = (row < col).astype(jnp.float32)
    F0 = jnp.dot(n0, tril, preferred_element_type=jnp.float32)
    F1 = jnp.dot(n1, tril, preferred_element_type=jnp.float32)
    t0 = F0[:, 0:1]
    t1 = F1[:, 0:1]
    E0 = jnp.dot(triu1, t0, preferred_element_type=jnp.float32)
    E1 = jnp.dot(triu1, t1, preferred_element_type=jnp.float32)
    f_incl = F0 + E0
    c_e = F1 + E1
    f_s = f_incl - n0
    p = jnp.sum(n1)
    d_s = jnp.maximum(p + f_s, 1.0)
    d_e = jnp.maximum(p + f_s + n0, 1.0)
    pos = s1 / d_s
    neg = s0 * (p - c_e) / (d_s * d_e)
    out_ref[...] = jnp.sum(pos + neg)[None, None]


def _tc_pack_kernel(lgt_ref, tgt_ref, out_ref):
    x = lgt_ref[0]
    t = tgt_ref[0]
    e = 1.0 - x * (2 * t - 1).astype(jnp.float32)
    bits = lax.bitcast_convert_type(e, jnp.int32)
    v = lax.bitcast_convert_type((bits & -2) | t, jnp.float32)
    out_ref[...] = jnp.concatenate([v[:, i * 128:(i + 1) * 128]
                                    for i in range(4)], axis=0)


def kernel(logits, target):
    tgt = target.astype(jnp.int32)
    v2d = pl.pallas_call(
        _tc_pack_kernel,
        grid=(8,),
        in_specs=[
            pl.BlockSpec((1, 512, 512), lambda b: (b, 0, 0)),
            pl.BlockSpec((1, 512, 512), lambda b: (b, 0, 0)),
        ],
        out_specs=pl.BlockSpec((2048, 128), lambda b: (b, 0)),
        out_shape=jax.ShapeDtypeStruct((ROWS, 128), jnp.float32),
    )(logits, tgt)
    hists = _sc_hist(v2d)
    loss = pl.pallas_call(
        _tc_scan_kernel,
        out_shape=jax.ShapeDtypeStruct((1, 1), jnp.float32),
    )(hists)
    return loss[0, 0]

# --- scband reference (transcript-rebuilt; emitter-appended) ---
"""Pipeline reference for scband-binary-lovasz-loss-32478542693060 (READ-ONLY COPY).

The authoritative reference and input builder live on the scoring server;
editing this copy changes nothing except your own understanding.
"""

import jax, jax.numpy as jnp
import numpy as np


def setup_inputs(seed: int = 0) -> dict:
    key = jax.random.key(seed)
    k1, k2 = jax.random.split(key)
    logits = jax.random.normal(k1, (8, 512, 512), dtype=jnp.float32)
    target = jax.random.randint(k2, (8, 512, 512), 0, 2, dtype=jnp.int64 if jax.config.jax_enable_x64 else jnp.int32)
    return {"logits": logits, "target": target}


def _lovasz_grad(gt_sorted):
    gts = jnp.sum(gt_sorted)
    intersection = gts - jnp.cumsum(gt_sorted)
    union = gts + jnp.cumsum(1.0 - gt_sorted)
    jaccard = 1.0 - intersection / union
    jaccard = jnp.concatenate([jaccard[:1], jaccard[1:] - jaccard[:-1]])
    return jaccard


def _lovasz_hinge_flat(logits_flat, labels_flat):
    signs = 2.0 * labels_flat - 1.0
    errors = 1.0 - logits_flat * signs
    perm = jnp.argsort(-errors)
    errors_sorted = errors[perm]
    gt_sorted = labels_flat[perm]
    grad = _lovasz_grad(gt_sorted)
    # grad is a function of labels only (no gradient path), matching torch detach semantics
    loss = jnp.dot(jax.nn.relu(errors_sorted), jax.lax.stop_gradient(grad))
    return loss


def reference(logits, target):
    # per_image=False, ignore_index=None: flatten everything and compute one hinge loss
    logits_flat = logits.reshape(-1)
    labels_flat = target.reshape(-1).astype(jnp.float32)
    return _lovasz_hinge_flat(logits_flat, labels_flat)

if __name__ == "__main__":
    import jax
    _d = setup_inputs()
    print(jax.jit(kernel)(*tuple(_d.values())))

</pallas_src>

<mosaic_0001>
#map = affine_map<(d0, d1) -> (0, 0)>
module attributes {stable_mosaic.version = 14 : i64} {
  func.func @_sc_hist(%arg0: i32, %arg1: i32, %arg2: memref<16384x128xf32, #tpu.memory_space<hbm>>, %arg3: memref<16384x128xf32, #tpu.memory_space<hbm>>, %arg4: memref<512x128xf32, #tpu.memory_space<vmem>>, %arg5: memref<128x128xf32, #tpu.memory_space<vmem>>, %arg6: memref<128x128xf32, #tpu.memory_space<vmem>>, %arg7: memref<2x!tpu.dma_semaphore, #tpu.memory_space<semaphore_mem>>) attributes {dimension_semantics = [#tpu.dimension_semantics<core_parallel>, #tpu.dimension_semantics<subcore_parallel>], iteration_bounds = array<i64: 2, 16>, scalar_prefetch = 0 : i64, scratch_operands = 4 : i64, tpu.core_type = #tpu.core_type<sc_vector_subcore>, window_params = [{transform_indices = #map}, {transform_indices = #map}]} {
    %mul3A = arith.constant 2 : i32
    %mul3A_0 = arith.muli %arg1, %mul3A : i32
    %add3A = arith.addi %mul3A_0, %arg0 : i32
    %mul3A_1 = arith.constant 512 : i32
    %mul3A_2 = arith.muli %add3A, %mul3A_1 : i32
    %parallel_loop3A = arith.constant 0 : i32
    %parallel_loop3A_3 = arith.constant 4096 : i32
    %parallel_loop3A_4 = arith.constant 1 : i32
    scf.for %parallel_loop3A_90 = %parallel_loop3A to %parallel_loop3A_3 step %parallel_loop3A_4  : i32 {
      %parallel_loop3A_91 = arith.constant 0.000000e+00 : f32
      %parallel_loop3A_92 = vector.broadcast %parallel_loop3A_91 : f32 to vector<16xf32>
      %parallel_loop3A_93 = arith.constant 3 : i32
      %parallel_loop3A_94 = arith.shrsi %parallel_loop3A_90, %parallel_loop3A_93 : i32
      %parallel_loop3A_95 = arith.constant 7 : i32
      %parallel_loop3A_96 = arith.andi %parallel_loop3A_90, %parallel_loop3A_95 : i32
      %parallel_loop3A_97 = arith.constant 16 : i32
      %parallel_loop3A_98 = arith.muli %parallel_loop3A_96, %parallel_loop3A_97 : i32
      %parallel_loop3A_99 = arith.index_cast %parallel_loop3A_94 : i32 to index
      %parallel_loop3A_100 = arith.index_cast %parallel_loop3A_98 : i32 to index
      %parallel_loop3A_101 = tpu.vector_load %arg4[%parallel_loop3A_99, %parallel_loop3A_100] {strides = array<i32>} : memref<512x128xf32, #tpu.memory_space<vmem>>, vector<16xf32>,
      tpu.vector_store %arg4[%parallel_loop3A_99, %parallel_loop3A_100], %parallel_loop3A_92 {strides = array<i32>} : memref<512x128xf32, #tpu.memory_space<vmem>>, vector<16xf32>,
    } {sc.loop_unroll_factor = 8 : i64, sc.parallel_access}
    %broadcast_in_dim3A = arith.constant 1.000000e+00 : f32
    %broadcast_in_dim3A_5 = vector.broadcast %broadcast_in_dim3A : f32 to vector<16xf32>
    %add3A_6 = arith.constant 0 : i32
    %add3A_7 = arith.addi %mul3A_2, %add3A_6 : i32
    %dma_start3A = arith.constant 0 : i32
    %dma_start3A_8 = arith.constant 0 : i32
    %dma_start3A_9 = tpu.memref_slice %arg2[%add3A_7, %dma_start3A_8] : memref<16384x128xf32, #tpu.memory_space<hbm>> -> memref<128x128xf32, #tpu.memory_space<hbm>>
    %dma_start3A_10 = tpu.memref_slice %arg7[%dma_start3A] : memref<2x!tpu.dma_semaphore, #tpu.memory_space<semaphore_mem>> -> memref<1x!tpu.dma_semaphore, #tpu.memory_space<semaphore_mem>>
    %dma_start3A_11 = tpu.memref_squeeze %dma_start3A_10 : memref<1x!tpu.dma_semaphore, #tpu.memory_space<semaphore_mem>> -> memref<!tpu.dma_semaphore, #tpu.memory_space<semaphore_mem>>
    %dma_start3A_12 = arith.constant 0 : i32
    %dma_start3A_13 = tpu.memref_slice %arg2[%add3A_7, %dma_start3A_12] : memref<16384x128xf32, #tpu.memory_space<hbm>> -> memref<128x128xf32, #tpu.memory_space<hbm>>
    tpu.enqueue_dma source(%dma_start3A_13 : memref<128x128xf32, #tpu.memory_space<hbm>>) target(%arg5 : memref<128x128xf32, #tpu.memory_space<vmem>>) target_semaphore(%dma_start3A_11 : memref<!tpu.dma_semaphore, #tpu.memory_space<semaphore_mem>>)
    %add3A_14 = arith.constant 128 : i32
    %add3A_15 = arith.addi %mul3A_2, %add3A_14 : i32
    %dma_start3A_16 = arith.constant 1 : i32
    %dma_start3A_17 = arith.constant 0 : i32
    %dma_start3A_18 = tpu.memref_slice %arg2[%add3A_15, %dma_start3A_17] : memref<16384x128xf32, #tpu.memory_space<hbm>> -> memref<128x128xf32, #tpu.memory_space<hbm>>
    %dma_start3A_19 = tpu.memref_slice %arg7[%dma_start3A_16] : memref<2x!tpu.dma_semaphore, #tpu.memory_space<semaphore_mem>> -> memref<1x!tpu.dma_semaphore, #tpu.memory_space<semaphore_mem>>
    %dma_start3A_20 = tpu.memref_squeeze %dma_start3A_19 : memref<1x!tpu.dma_semaphore, #tpu.memory_space<semaphore_mem>> -> memref<!tpu.dma_semaphore, #tpu.memory_space<semaphore_mem>>
    %dma_start3A_21 = arith.constant 0 : i32
    %dma_start3A_22 = tpu.memref_slice %arg2[%add3A_15, %dma_start3A_21] : memref<16384x128xf32, #tpu.memory_space<hbm>> -> memref<128x128xf32, #tpu.memory_space<hbm>>
    tpu.enqueue_dma source(%dma_start3A_22 : memref<128x128xf32, #tpu.memory_space<hbm>>) target(%arg6 : memref<128x128xf32, #tpu.memory_space<vmem>>) target_semaphore(%dma_start3A_20 : memref<!tpu.dma_semaphore, #tpu.memory_space<semaphore_mem>>)
    %add3A_23 = arith.constant 0 : i32
    %add3A_24 = arith.addi %mul3A_2, %add3A_23 : i32
    %dma_wait3A = arith.constant 0 : i32
    %dma_wait3A_25 = arith.constant 0 : i32
    %dma_wait3A_26 = tpu.memref_slice %arg2[%add3A_24, %dma_wait3A_25] : memref<16384x128xf32, #tpu.memory_space<hbm>> -> memref<128x128xf32, #tpu.memory_space<hbm>>
    %dma_wait3A_27 = tpu.memref_slice %arg7[%dma_wait3A] : memref<2x!tpu.dma_semaphore, #tpu.memory_space<semaphore_mem>> -> memref<1x!tpu.dma_semaphore, #tpu.memory_space<semaphore_mem>>
    %dma_wait3A_28 = tpu.memref_squeeze %dma_wait3A_27 : memref<1x!tpu.dma_semaphore, #tpu.memory_space<semaphore_mem>> -> memref<!tpu.dma_semaphore, #tpu.memory_space<semaphore_mem>>
    %dma_wait3A_29 = arith.constant 0 : i32
    %dma_wait3A_30 = tpu.memref_slice %arg2[%add3A_24, %dma_wait3A_29] : memref<16384x128xf32, #tpu.memory_space<hbm>> -> memref<128x128xf32, #tpu.memory_space<hbm>>
    tpu.wait_dma2 semaphore(%dma_wait3A_28 : memref<!tpu.dma_semaphore, #tpu.memory_space<semaphore_mem>>) src(%dma_wait3A_30 : memref<128x128xf32, #tpu.memory_space<hbm>>) dst(%arg5 : memref<128x128xf32, #tpu.memory_space<vmem>>)
    %parallel_loop3A_31 = arith.constant 0 : i32
    %parallel_loop3A_32 = arith.constant 1024 : i32
    %parallel_loop3A_33 = arith.constant 1 : i32
    scf.for %parallel_loop3A_90 = %parallel_loop3A_31 to %parallel_loop3A_32 step %parallel_loop3A_33  : i32 {
      %parallel_loop3A_91 = arith.constant 3 : i32
      %parallel_loop3A_92 = arith.shrsi %parallel_loop3A_90, %parallel_loop3A_91 : i32
      %parallel_loop3A_93 = arith.constant 7 : i32
      %parallel_loop3A_94 = arith.andi %parallel_loop3A_90, %parallel_loop3A_93 : i32
      %parallel_loop3A_95 = arith.constant 16 : i32
      %parallel_loop3A_96 = arith.muli %parallel_loop3A_94, %parallel_loop3A_95 : i32
      %parallel_loop3A_97 = arith.index_cast %parallel_loop3A_92 : i32 to index
      %parallel_loop3A_98 = arith.index_cast %parallel_loop3A_96 : i32 to index
      %parallel_loop3A_99 = tpu.vector_load %arg5[%parallel_loop3A_97, %parallel_loop3A_98] {strides = array<i32>} : memref<128x128xf32, #tpu.memory_space<vmem>>, vector<16xf32>,
      %parallel_loop3A_100 = vector.bitcast %parallel_loop3A_99 : vector<16xf32> to vector<16xi32>
      %parallel_loop3A_101 = arith.constant 1 : i32
      %parallel_loop3A_102 = vector.broadcast %parallel_loop3A_101 : i32 to vector<16xi32>
      %parallel_loop3A_103 = arith.andi %parallel_loop3A_100, %parallel_loop3A_102 : vector<16xi32>
      %parallel_loop3A_104 = arith.constant 0 : i32
      %parallel_loop3A_105 = vector.broadcast %parallel_loop3A_104 : i32 to vector<16xi32>
      %parallel_loop3A_106 = arith.maxsi %parallel_loop3A_100, %parallel_loop3A_105 : vector<16xi32>
      %parallel_loop3A_107 = arith.constant 17 : i32
      %parallel_loop3A_108 = vector.broadcast %parallel_loop3A_107 : i32 to vector<16xi32>
      %parallel_loop3A_109 = arith.shrui %parallel_loop3A_106, %parallel_loop3A_108 : vector<16xi32>
      %parallel_loop3A_110 = arith.constant 16384 : i32
      %parallel_loop3A_111 = vector.broadcast %parallel_loop3A_110 : i32 to vector<16xi32>
      %parallel_loop3A_112 = arith.muli %parallel_loop3A_103, %parallel_loop3A_111 : vector<16xi32>
      %parallel_loop3A_113 = arith.addi %parallel_loop3A_109, %parallel_loop3A_112 : vector<16xi32>
      %parallel_loop3A_114 = arith.constant 7 : i32
      %parallel_loop3A_115 = vector.broadcast %parallel_loop3A_114 : i32 to vector<16xi32>
      %parallel_loop3A_116 = arith.shrui %parallel_loop3A_113, %parallel_loop3A_115 : vector<16xi32>
      %parallel_loop3A_117 = arith.constant 127 : i32
      %parallel_loop3A_118 = vector.broadcast %parallel_loop3A_117 : i32 to vector<16xi32>
      %parallel_loop3A_119 = arith.andi %parallel_loop3A_113, %parallel_loop3A_118 : vector<16xi32>
      %parallel_loop3A_120 = arith.constant 0.000000e+00 : f32
      %parallel_loop3A_121 = vector.broadcast %parallel_loop3A_120 : f32 to vector<16xf32>
      %parallel_loop3A_122 = arith.maximumf %parallel_loop3A_99, %parallel_loop3A_121 : vector<16xf32>
      tpu.vector_store_idx %arg4[%parallel_loop3A_116, %parallel_loop3A_119], %broadcast_in_dim3A_5 {add = true} : memref<512x128xf32, #tpu.memory_space<vmem>>[vector<16xi32>, vector<16xi32>], vector<16xf32>,
      %parallel_loop3A_123 = arith.constant 256 : i32
      %parallel_loop3A_124 = vector.broadcast %parallel_loop3A_123 : i32 to vector<16xi32>
      %parallel_loop3A_125 = arith.addi %parallel_loop3A_116, %parallel_loop3A_124 : vector<16xi32>
      tpu.vector_store_idx %arg4[%parallel_loop3A_125, %parallel_loop3A_119], %parallel_loop3A_122 {add = true} : memref<512x128xf32, #tpu.memory_space<vmem>>[vector<16xi32>, vector<16xi32>], vector<16xf32>,
    } {sc.loop_unroll_factor = 8 : i64, sc.parallel_access}
    %add3A_34 = arith.constant 256 : i32
    %add3A_35 = arith.addi %mul3A_2, %add3A_34 : i32
    %dma_start3A_36 = arith.constant 0 : i32
    %dma_start3A_37 = arith.constant 0 : i32
    %dma_start3A_38 = tpu.memref_slice %arg2[%add3A_35, %dma_start3A_37] : memref<16384x128xf32, #tpu.memory_space<hbm>> -> memref<128x128xf32, #tpu.memory_space<hbm>>
    %dma_start3A_39 = tpu.memref_slice %arg7[%dma_start3A_36] : memref<2x!tpu.dma_semaphore, #tpu.memory_space<semaphore_mem>> -> memref<1x!tpu.dma_semaphore, #tpu.memory_space<semaphore_mem>>
    %dma_start3A_40 = tpu.memref_squeeze %dma_start3A_39 : memref<1x!tpu.dma_semaphore, #tpu.memory_space<semaphore_mem>> -> memref<!tpu.dma_semaphore, #tpu.memory_space<semaphore_mem>>
    %dma_start3A_41 = arith.constant 0 : i32
    %dma_start3A_42 = tpu.memref_slice %arg2[%add3A_35, %dma_start3A_41] : memref<16384x128xf32, #tpu.memory_space<hbm>> -> memref<128x128xf32, #tpu.memory_space<hbm>>
    tpu.enqueue_dma source(%dma_start3A_42 : memref<128x128xf32, #tpu.memory_space<hbm>>) target(%arg5 : memref<128x128xf32, #tpu.memory_space<vmem>>) target_semaphore(%dma_start3A_40 : memref<!tpu.dma_semaphore, #tpu.memory_space<semaphore_mem>>)
    %add3A_43 = arith.constant 128 : i32
    %add3A_44 = arith.addi %mul3A_2, %add3A_43 : i32
    %dma_wait3A_45 = arith.constant 1 : i32
    %dma_wait3A_46 = arith.constant 0 : i32
    %dma_wait3A_47 = tpu.memref_slice %arg2[%add3A_44, %dma_wait3A_46] : memref<16384x128xf32, #tpu.memory_space<hbm>> -> memref<128x128xf32, #tpu.memory_space<hbm>>
    %dma_wait3A_48 = tpu.memref_slice %arg7[%dma_wait3A_45] : memref<2x!tpu.dma_semaphore, #tpu.memory_space<semaphore_mem>> -> memref<1x!tpu.dma_semaphore, #tpu.memory_space<semaphore_mem>>
    %dma_wait3A_49 = tpu.memref_squeeze %dma_wait3A_48 : memref<1x!tpu.dma_semaphore, #tpu.memory_space<semaphore_mem>> -> memref<!tpu.dma_semaphore, #tpu.memory_space<semaphore_mem>>
    %dma_wait3A_50 = arith.constant 0 : i32
    %dma_wait3A_51 = tpu.memref_slice %arg2[%add3A_44, %dma_wait3A_50] : memref<16384x128xf32, #tpu.memory_space<hbm>> -> memref<128x128xf32, #tpu.memory_space<hbm>>
    tpu.wait_dma2 semaphore(%dma_wait3A_49 : memref<!tpu.dma_semaphore, #tpu.memory_space<semaphore_mem>>) src(%dma_wait3A_51 : memref<128x128xf32, #tpu.memory_space<hbm>>) dst(%arg6 : memref<128x128xf32, #tpu.memory_space<vmem>>)
    %parallel_loop3A_52 = arith.constant 0 : i32
    %parallel_loop3A_53 = arith.constant 1024 : i32
    %parallel_loop3A_54 = arith.constant 1 : i32
    scf.for %parallel_loop3A_90 = %parallel_loop3A_52 to %parallel_loop3A_53 step %parallel_loop3A_54  : i32 {
      %parallel_loop3A_91 = arith.constant 3 : i32
      %parallel_loop3A_92 = arith.shrsi %parallel_loop3A_90, %parallel_loop3A_91 : i32
      %parallel_loop3A_93 = arith.constant 7 : i32
      %parallel_loop3A_94 = arith.andi %parallel_loop3A_90, %parallel_loop3A_93 : i32
      %parallel_loop3A_95 = arith.constant 16 : i32
      %parallel_loop3A_96 = arith.muli %parallel_loop3A_94, %parallel_loop3A_95 : i32
      %parallel_loop3A_97 = arith.index_cast %parallel_loop3A_92 : i32 to index
      %parallel_loop3A_98 = arith.index_cast %parallel_loop3A_96 : i32 to index
      %parallel_loop3A_99 = tpu.vector_load %arg6[%parallel_loop3A_97, %parallel_loop3A_98] {strides = array<i32>} : memref<128x128xf32, #tpu.memory_space<vmem>>, vector<16xf32>,
      %parallel_loop3A_100 = vector.bitcast %parallel_loop3A_99 : vector<16xf32> to vector<16xi32>
      %parallel_loop3A_101 = arith.constant 1 : i32
      %parallel_loop3A_102 = vector.broadcast %parallel_loop3A_101 : i32 to vector<16xi32>
      %parallel_loop3A_103 = arith.andi %parallel_loop3A_100, %parallel_loop3A_102 : vector<16xi32>
      %parallel_loop3A_104 = arith.constant 0 : i32
      %parallel_loop3A_105 = vector.broadcast %parallel_loop3A_104 : i32 to vector<16xi32>
      %parallel_loop3A_106 = arith.maxsi %parallel_loop3A_100, %parallel_loop3A_105 : vector<16xi32>
      %parallel_loop3A_107 = arith.constant 17 : i32
      %parallel_loop3A_108 = vector.broadcast %parallel_loop3A_107 : i32 to vector<16xi32>
      %parallel_loop3A_109 = arith.shrui %parallel_loop3A_106, %parallel_loop3A_108 : vector<16xi32>
      %parallel_loop3A_110 = arith.constant 16384 : i32
      %parallel_loop3A_111 = vector.broadcast %parallel_loop3A_110 : i32 to vector<16xi32>
      %parallel_loop3A_112 = arith.muli %parallel_loop3A_103, %parallel_loop3A_111 : vector<16xi32>
      %parallel_loop3A_113 = arith.addi %parallel_loop3A_109, %parallel_loop3A_112 : vector<16xi32>
      %parallel_loop3A_114 = arith.constant 7 : i32
      %parallel_loop3A_115 = vector.broadcast %parallel_loop3A_114 : i32 to vector<16xi32>
      %parallel_loop3A_116 = arith.shrui %parallel_loop3A_113, %parallel_loop3A_115 : vector<16xi32>
      %parallel_loop3A_117 = arith.constant 127 : i32
      %parallel_loop3A_118 = vector.broadcast %parallel_loop3A_117 : i32 to vector<16xi32>
      %parallel_loop3A_119 = arith.andi %parallel_loop3A_113, %parallel_loop3A_118 : vector<16xi32>
      %parallel_loop3A_120 = arith.constant 0.000000e+00 : f32
      %parallel_loop3A_121 = vector.broadcast %parallel_loop3A_120 : f32 to vector<16xf32>
      %parallel_loop3A_122 = arith.maximumf %parallel_loop3A_99, %parallel_loop3A_121 : vector<16xf32>
      tpu.vector_store_idx %arg4[%parallel_loop3A_116, %parallel_loop3A_119], %broadcast_in_dim3A_5 {add = true} : memref<512x128xf32, #tpu.memory_space<vmem>>[vector<16xi32>, vector<16xi32>], vector<16xf32>,
      %parallel_loop3A_123 = arith.constant 256 : i32
      %parallel_loop3A_124 = vector.broadcast %parallel_loop3A_123 : i32 to vector<16xi32>
      %parallel_loop3A_125 = arith.addi %parallel_loop3A_116, %parallel_loop3A_124 : vector<16xi32>
      tpu.vector_store_idx %arg4[%parallel_loop3A_125, %parallel_loop3A_119], %parallel_loop3A_122 {add = true} : memref<512x128xf32, #tpu.memory_space<vmem>>[vector<16xi32>, vector<16xi32>], vector<16xf32>,
    } {sc.loop_unroll_factor = 8 : i64, sc.parallel_access}
    %add3A_55 = arith.constant 384 : i32
    %add3A_56 = arith.addi %mul3A_2, %add3A_55 : i32
    %dma_start3A_57 = arith.constant 1 : i32
    %dma_start3A_58 = arith.constant 0 : i32
    %dma_start3A_59 = tpu.memref_slice %arg2[%add3A_56, %dma_start3A_58] : memref<16384x128xf32, #tpu.memory_space<hbm>> -> memref<128x128xf32, #tpu.memory_space<hbm>>
    %dma_start3A_60 = tpu.memref_slice %arg7[%dma_start3A_57] : memref<2x!tpu.dma_semaphore, #tpu.memory_space<semaphore_mem>> -> memref<1x!tpu.dma_semaphore, #tpu.memory_space<semaphore_mem>>
    %dma_start3A_61 = tpu.memref_squeeze %dma_start3A_60 : memref<1x!tpu.dma_semaphore, #tpu.memory_space<semaphore_mem>> -> memref<!tpu.dma_semaphore, #tpu.memory_space<semaphore_mem>>
    %dma_start3A_62 = arith.constant 0 : i32
    %dma_start3A_63 = tpu.memref_slice %arg2[%add3A_56, %dma_start3A_62] : memref<16384x128xf32, #tpu.memory_space<hbm>> -> memref<128x128xf32, #tpu.memory_space<hbm>>
    tpu.enqueue_dma source(%dma_start3A_63 : memref<128x128xf32, #tpu.memory_space<hbm>>) target(%arg6 : memref<128x128xf32, #tpu.memory_space<vmem>>) target_semaphore(%dma_start3A_61 : memref<!tpu.dma_semaphore, #tpu.memory_space<semaphore_mem>>)
    %add3A_64 = arith.constant 256 : i32
    %add3A_65 = arith.addi %mul3A_2, %add3A_64 : i32
    %dma_wait3A_66 = arith.constant 0 : i32
    %dma_wait3A_67 = arith.constant 0 : i32
    %dma_wait3A_68 = tpu.memref_slice %arg2[%add3A_65, %dma_wait3A_67] : memref<16384x128xf32, #tpu.memory_space<hbm>> -> memref<128x128xf32, #tpu.memory_space<hbm>>
    %dma_wait3A_69 = tpu.memref_slice %arg7[%dma_wait3A_66] : memref<2x!tpu.dma_semaphore, #tpu.memory_space<semaphore_mem>> -> memref<1x!tpu.dma_semaphore, #tpu.memory_space<semaphore_mem>>
    %dma_wait3A_70 = tpu.memref_squeeze %dma_wait3A_69 : memref<1x!tpu.dma_semaphore, #tpu.memory_space<semaphore_mem>> -> memref<!tpu.dma_semaphore, #tpu.memory_space<semaphore_mem>>
    %dma_wait3A_71 = arith.constant 0 : i32
    %dma_wait3A_72 = tpu.memref_slice %arg2[%add3A_65, %dma_wait3A_71] : memref<16384x128xf32, #tpu.memory_space<hbm>> -> memref<128x128xf32, #tpu.memory_space<hbm>>
    tpu.wait_dma2 semaphore(%dma_wait3A_70 : memref<!tpu.dma_semaphore, #tpu.memory_space<semaphore_mem>>) src(%dma_wait3A_72 : memref<128x128xf32, #tpu.memory_space<hbm>>) dst(%arg5 : memref<128x128xf32, #tpu.memory_space<vmem>>)
    %parallel_loop3A_73 = arith.constant 0 : i32
    %parallel_loop3A_74 = arith.constant 1024 : i32
    %parallel_loop3A_75 = arith.constant 1 : i32
    scf.for %parallel_loop3A_90 = %parallel_loop3A_73 to %parallel_loop3A_74 step %parallel_loop3A_75  : i32 {
      %parallel_loop3A_91 = arith.constant 3 : i32
      %parallel_loop3A_92 = arith.shrsi %parallel_loop3A_90, %parallel_loop3A_91 : i32
      %parallel_loop3A_93 = arith.constant 7 : i32
      %parallel_loop3A_94 = arith.andi %parallel_loop3A_90, %parallel_loop3A_93 : i32
      %parallel_loop3A_95 = arith.constant 16 : i32
      %parallel_loop3A_96 = arith.muli %parallel_loop3A_94, %parallel_loop3A_95 : i32
      %parallel_loop3A_97 = arith.index_cast %parallel_loop3A_92 : i32 to index
      %parallel_loop3A_98 = arith.index_cast %parallel_loop3A_96 : i32 to index
      %parallel_loop3A_99 = tpu.vector_load %arg5[%parallel_loop3A_97, %parallel_loop3A_98] {strides = array<i32>} : memref<128x128xf32, #tpu.memory_space<vmem>>, vector<16xf32>,
      %parallel_loop3A_100 = vector.bitcast %parallel_loop3A_99 : vector<16xf32> to vector<16xi32>
      %parallel_loop3A_101 = arith.constant 1 : i32
      %parallel_loop3A_102 = vector.broadcast %parallel_loop3A_101 : i32 to vector<16xi32>
      %parallel_loop3A_103 = arith.andi %parallel_loop3A_100, %parallel_loop3A_102 : vector<16xi32>
      %parallel_loop3A_104 = arith.constant 0 : i32
      %parallel_loop3A_105 = vector.broadcast %parallel_loop3A_104 : i32 to vector<16xi32>
      %parallel_loop3A_106 = arith.maxsi %parallel_loop3A_100, %parallel_loop3A_105 : vector<16xi32>
      %parallel_loop3A_107 = arith.constant 17 : i32
      %parallel_loop3A_108 = vector.broadcast %parallel_loop3A_107 : i32 to vector<16xi32>
      %parallel_loop3A_109 = arith.shrui %parallel_loop3A_106, %parallel_loop3A_108 : vector<16xi32>
      %parallel_loop3A_110 = arith.constant 16384 : i32
      %parallel_loop3A_111 = vector.broadcast %parallel_loop3A_110 : i32 to vector<16xi32>
      %parallel_loop3A_112 = arith.muli %parallel_loop3A_103, %parallel_loop3A_111 : vector<16xi32>
      %parallel_loop3A_113 = arith.addi %parallel_loop3A_109, %parallel_loop3A_112 : vector<16xi32>
      %parallel_loop3A_114 = arith.constant 7 : i32
      %parallel_loop3A_115 = vector.broadcast %parallel_loop3A_114 : i32 to vector<16xi32>
      %parallel_loop3A_116 = arith.shrui %parallel_loop3A_113, %parallel_loop3A_115 : vector<16xi32>
      %parallel_loop3A_117 = arith.constant 127 : i32
      %parallel_loop3A_118 = vector.broadcast %parallel_loop3A_117 : i32 to vector<16xi32>
      %parallel_loop3A_119 = arith.andi %parallel_loop3A_113, %parallel_loop3A_118 : vector<16xi32>
      %parallel_loop3A_120 = arith.constant 0.000000e+00 : f32
      %parallel_loop3A_121 = vector.broadcast %parallel_loop3A_120 : f32 to vector<16xf32>
      %parallel_loop3A_122 = arith.maximumf %parallel_loop3A_99, %parallel_loop3A_121 : vector<16xf32>
      tpu.vector_store_idx %arg4[%parallel_loop3A_116, %parallel_loop3A_119], %broadcast_in_dim3A_5 {add = true} : memref<512x128xf32, #tpu.memory_space<vmem>>[vector<16xi32>, vector<16xi32>], vector<16xf32>,
      %parallel_loop3A_123 = arith.constant 256 : i32
      %parallel_loop3A_124 = vector.broadcast %parallel_loop3A_123 : i32 to vector<16xi32>
      %parallel_loop3A_125 = arith.addi %parallel_loop3A_116, %parallel_loop3A_124 : vector<16xi32>
      tpu.vector_store_idx %arg4[%parallel_loop3A_125, %parallel_loop3A_119], %parallel_loop3A_122 {add = true} : memref<512x128xf32, #tpu.memory_space<vmem>>[vector<16xi32>, vector<16xi32>], vector<16xf32>,
    } {sc.loop_unroll_factor = 8 : i64, sc.parallel_access}
    %add3A_76 = arith.constant 384 : i32
    %add3A_77 = arith.addi %mul3A_2, %add3A_76 : i32
    %dma_wait3A_78 = arith.constant 1 : i32
    %dma_wait3A_79 = arith.constant 0 : i32
    %dma_wait3A_80 = tpu.memref_slice %arg2[%add3A_77, %dma_wait3A_79] : memref<16384x128xf32, #tpu.memory_space<hbm>> -> memref<128x128xf32, #tpu.memory_space<hbm>>
    %dma_wait3A_81 = tpu.memref_slice %arg7[%dma_wait3A_78] : memref<2x!tpu.dma_semaphore, #tpu.memory_space<semaphore_mem>> -> memref<1x!tpu.dma_semaphore, #tpu.memory_space<semaphore_mem>>
    %dma_wait3A_82 = tpu.memref_squeeze %dma_wait3A_81 : memref<1x!tpu.dma_semaphore, #tpu.memory_space<semaphore_mem>> -> memref<!tpu.dma_semaphore, #tpu.memory_space<semaphore_mem>>
    %dma_wait3A_83 = arith.constant 0 : i32
    %dma_wait3A_84 = tpu.memref_slice %arg2[%add3A_77, %dma_wait3A_83] : memref<16384x128xf32, #tpu.memory_space<hbm>> -> memref<128x128xf32, #tpu.memory_space<hbm>>
    tpu.wait_dma2 semaphore(%dma_wait3A_82 : memref<!tpu.dma_semaphore, #tpu.memory_space<semaphore_mem>>) src(%dma_wait3A_84 : memref<128x128xf32, #tpu.memory_space<hbm>>) dst(%arg6 : memref<128x128xf32, #tpu.memory_space<vmem>>)
    %parallel_loop3A_85 = arith.constant 0 : i32
    %parallel_loop3A_86 = arith.constant 1024 : i32
    %parallel_loop3A_87 = arith.constant 1 : i32
    scf.for %parallel_loop3A_90 = %parallel_loop3A_85 to %parallel_loop3A_86 step %parallel_loop3A_87  : i32 {
      %parallel_loop3A_91 = arith.constant 3 : i32
      %parallel_loop3A_92 = arith.shrsi %parallel_loop3A_90, %parallel_loop3A_91 : i32
      %parallel_loop3A_93 = arith.constant 7 : i32
      %parallel_loop3A_94 = arith.andi %parallel_loop3A_90, %parallel_loop3A_93 : i32
      %parallel_loop3A_95 = arith.constant 16 : i32
      %parallel_loop3A_96 = arith.muli %parallel_loop3A_94, %parallel_loop3A_95 : i32
      %parallel_loop3A_97 = arith.index_cast %parallel_loop3A_92 : i32 to index
      %parallel_loop3A_98 = arith.index_cast %parallel_loop3A_96 : i32 to index
      %parallel_loop3A_99 = tpu.vector_load %arg6[%parallel_loop3A_97, %parallel_loop3A_98] {strides = array<i32>} : memref<128x128xf32, #tpu.memory_space<vmem>>, vector<16xf32>,
      %parallel_loop3A_100 = vector.bitcast %parallel_loop3A_99 : vector<16xf32> to vector<16xi32>
      %parallel_loop3A_101 = arith.constant 1 : i32
      %parallel_loop3A_102 = vector.broadcast %parallel_loop3A_101 : i32 to vector<16xi32>
      %parallel_loop3A_103 = arith.andi %parallel_loop3A_100, %parallel_loop3A_102 : vector<16xi32>
      %parallel_loop3A_104 = arith.constant 0 : i32
      %parallel_loop3A_105 = vector.broadcast %parallel_loop3A_104 : i32 to vector<16xi32>
      %parallel_loop3A_106 = arith.maxsi %parallel_loop3A_100, %parallel_loop3A_105 : vector<16xi32>
      %parallel_loop3A_107 = arith.constant 17 : i32
      %parallel_loop3A_108 = vector.broadcast %parallel_loop3A_107 : i32 to vector<16xi32>
      %parallel_loop3A_109 = arith.shrui %parallel_loop3A_106, %parallel_loop3A_108 : vector<16xi32>
      %parallel_loop3A_110 = arith.constant 16384 : i32
      %parallel_loop3A_111 = vector.broadcast %parallel_loop3A_110 : i32 to vector<16xi32>
      %parallel_loop3A_112 = arith.muli %parallel_loop3A_103, %parallel_loop3A_111 : vector<16xi32>
      %parallel_loop3A_113 = arith.addi %parallel_loop3A_109, %parallel_loop3A_112 : vector<16xi32>
      %parallel_loop3A_114 = arith.constant 7 : i32
      %parallel_loop3A_115 = vector.broadcast %parallel_loop3A_114 : i32 to vector<16xi32>
      %parallel_loop3A_116 = arith.shrui %parallel_loop3A_113, %parallel_loop3A_115 : vector<16xi32>
      %parallel_loop3A_117 = arith.constant 127 : i32
      %parallel_loop3A_118 = vector.broadcast %parallel_loop3A_117 : i32 to vector<16xi32>
      %parallel_loop3A_119 = arith.andi %parallel_loop3A_113, %parallel_loop3A_118 : vector<16xi32>
      %parallel_loop3A_120 = arith.constant 0.000000e+00 : f32
      %parallel_loop3A_121 = vector.broadcast %parallel_loop3A_120 : f32 to vector<16xf32>
      %parallel_loop3A_122 = arith.maximumf %parallel_loop3A_99, %parallel_loop3A_121 : vector<16xf32>
      tpu.vector_store_idx %arg4[%parallel_loop3A_116, %parallel_loop3A_119], %broadcast_in_dim3A_5 {add = true} : memref<512x128xf32, #tpu.memory_space<vmem>>[vector<16xi32>, vector<16xi32>], vector<16xf32>,
      %parallel_loop3A_123 = arith.constant 256 : i32
      %parallel_loop3A_124 = vector.broadcast %parallel_loop3A_123 : i32 to vector<16xi32>
      %parallel_loop3A_125 = arith.addi %parallel_loop3A_116, %parallel_loop3A_124 : vector<16xi32>
      tpu.vector_store_idx %arg4[%parallel_loop3A_125, %parallel_loop3A_119], %parallel_loop3A_122 {add = true} : memref<512x128xf32, #tpu.memory_space<vmem>>[vector<16xi32>, vector<16xi32>], vector<16xf32>,
    } {sc.loop_unroll_factor = 8 : i64, sc.parallel_access}
    %mul3A_88 = arith.constant 512 : i32
    %mul3A_89 = arith.muli %add3A, %mul3A_88 : i32
    "tpu.region"() ({
      %run_scoped3A = tpu.sem_alloc : memref<!tpu.dma_semaphore, #tpu.memory_space<semaphore_mem>>
      %dma_start3A_90 = arith.constant 0 : i32
      %dma_start3A_91 = tpu.memref_slice %arg3[%mul3A_89, %dma_start3A_90] : memref<16384x128xf32, #tpu.memory_space<hbm>> -> memref<512x128xf32, #tpu.memory_space<hbm>>
      %dma_start3A_92 = arith.constant 0 : i32
      %dma_start3A_93 = tpu.memref_slice %arg3[%mul3A_89, %dma_start3A_92] : memref<16384x128xf32, #tpu.memory_space<hbm>> -> memref<512x128xf32, #tpu.memory_space<hbm>>
      tpu.enqueue_dma source(%arg4 : memref<512x128xf32, #tpu.memory_space<vmem>>) target(%dma_start3A_93 : memref<512x128xf32, #tpu.memory_space<hbm>>) target_semaphore(%run_scoped3A : memref<!tpu.dma_semaphore, #tpu.memory_space<semaphore_mem>>)
      %dma_wait3A_94 = arith.constant 0 : i32
      %dma_wait3A_95 = tpu.memref_slice %arg3[%mul3A_89, %dma_wait3A_94] : memref<16384x128xf32, #tpu.memory_space<hbm>> -> memref<512x128xf32, #tpu.memory_space<hbm>>
      %dma_wait3A_96 = arith.constant 0 : i32
      %dma_wait3A_97 = tpu.memref_slice %arg3[%mul3A_89, %dma_wait3A_96] : memref<16384x128xf32, #tpu.memory_space<hbm>> -> memref<512x128xf32, #tpu.memory_space<hbm>>
      tpu.wait_dma2 semaphore(%run_scoped3A : memref<!tpu.dma_semaphore, #tpu.memory_space<semaphore_mem>>) src(%arg4 : memref<512x128xf32, #tpu.memory_space<vmem>>) dst(%dma_wait3A_97 : memref<512x128xf32, #tpu.memory_space<hbm>>)
      tpu.yield
    }) : () -> ()
    return
  }
}

module attributes {stable_mosaic.version = 14 : i64} {
  func.func @_tc_pack_kernel(%arg0: i32, %arg1: memref<1x512x512xf32, #tpu.memory_space<vmem>>, %arg2: memref<1x512x512xi32, #tpu.memory_space<vmem>>, %arg3: memref<2048x128xf32, #tpu.memory_space<vmem>>) attributes {dimension_semantics = [#tpu.dimension_semantics<arbitrary>], iteration_bounds = array<i64: 8>, scalar_prefetch = 0 : i64, scratch_operands = 0 : i64, tpu.core_type = #tpu.core_type<tc>, window_params = [{transform_indices = @transform_0, window_bounds = array<i64: 1, 512, 512>}, {transform_indices = @transform_1, window_bounds = array<i64: 1, 512, 512>}, {transform_indices = @transform_2, window_bounds = array<i64: 2048, 128>}]} {
    %get3A = arith.constant 0 : index
    %get3A_0 = arith.constant 0 : index
    %get3A_1 = arith.constant 0 : index
    %get3A_2 = vector.load %arg1[%get3A, %get3A_0, %get3A_1] : memref<1x512x512xf32, #tpu.memory_space<vmem>>, vector<1x512x512xf32>
    %get3A_3 = vector.shape_cast %get3A_2 : vector<1x512x512xf32> to vector<512x512xf32>
    %get3A_4 = arith.constant 0 : index
    %get3A_5 = arith.constant 0 : index
    %get3A_6 = arith.constant 0 : index
    %get3A_7 = vector.load %arg2[%get3A_4, %get3A_5, %get3A_6] : memref<1x512x512xi32, #tpu.memory_space<vmem>>, vector<1x512x512xi32>
    %get3A_8 = vector.shape_cast %get3A_7 : vector<1x512x512xi32> to vector<512x512xi32>
    %mul3A = arith.constant 2 : i32
    %mul3A_9 = vector.broadcast %mul3A : i32 to vector<512x512xi32>
    %mul3A_10 = arith.muli %mul3A_9, %get3A_8 : vector<512x512xi32>
    %sub3A = arith.constant 1 : i32
    %sub3A_11 = vector.broadcast %sub3A : i32 to vector<512x512xi32>
    %sub3A_12 = arith.subi %mul3A_10, %sub3A_11 : vector<512x512xi32>
    %convert_element_type3A = arith.sitofp %sub3A_12 : vector<512x512xi32> to vector<512x512xf32>
    %mul3A_13 = arith.mulf %get3A_3, %convert_element_type3A : vector<512x512xf32>
    %sub3A_14 = arith.constant 1.000000e+00 : f32
    %sub3A_15 = vector.broadcast %sub3A_14 : f32 to vector<512x512xf32>
    %sub3A_16 = arith.subf %sub3A_15, %mul3A_13 : vector<512x512xf32>
    %bitcast_convert_type3A = tpu.bitcast %sub3A_16 : vector<512x512xf32> -> vector<512x512xi32>
    %and3A = arith.constant -2 : i32
    %and3A_17 = vector.broadcast %and3A : i32 to vector<512x512xi32>
    %and3A_18 = arith.andi %bitcast_convert_type3A, %and3A_17 : vector<512x512xi32>
    %or3A = arith.ori %and3A_18, %get3A_8 : vector<512x512xi32>
    %bitcast_convert_type3A_19 = tpu.bitcast %or3A : vector<512x512xi32> -> vector<512x512xf32>
    %slice3A = vector.extract_strided_slice %bitcast_convert_type3A_19 {offsets = [0, 0], sizes = [512, 128], strides = [1, 1]} : vector<512x512xf32> to vector<512x128xf32>
    %slice3A_20 = vector.extract_strided_slice %bitcast_convert_type3A_19 {offsets = [0, 128], sizes = [512, 128], strides = [1, 1]} : vector<512x512xf32> to vector<512x128xf32>
    %slice3A_21 = vector.extract_strided_slice %bitcast_convert_type3A_19 {offsets = [0, 256], sizes = [512, 128], strides = [1, 1]} : vector<512x512xf32> to vector<512x128xf32>
    %slice3A_22 = vector.extract_strided_slice %bitcast_convert_type3A_19 {offsets = [0, 384], sizes = [512, 128], strides = [1, 1]} : vector<512x512xf32> to vector<512x128xf32>
    %concatenate3A = tpu.concatenate %slice3A, %slice3A_20, %slice3A_21, %slice3A_22 in 0 : vector<512x128xf32>, vector<512x128xf32>, vector<512x128xf32>, vector<512x128xf32> -> vector<2048x128xf32>
    %swap3A = arith.constant 0 : index
    %swap3A_23 = arith.constant 0 : index
    %swap3A_24 = vector.load %arg3[%swap3A, %swap3A_23] : memref<2048x128xf32, #tpu.memory_space<vmem>>, vector<2048x128xf32>
    tpu.vector_store %arg3[%swap3A, %swap3A_23], %concatenate3A {strides = array<i32>} : memref<2048x128xf32, #tpu.memory_space<vmem>>, vector<2048x128xf32>,
    return
  }
  func.func @transform_0(%arg0: i32) -> (i32, i32, i32) {
    %c0_i32 = arith.constant 0 : i32
    %c0_i32_0 = arith.constant 0 : i32
    %c0_i32_1 = arith.constant 0 : i32
    return %arg0, %c0_i32, %c0_i32_0 : i32, i32, i32
  }
  func.func @transform_1(%arg0: i32) -> (i32, i32, i32) {
    %c0_i32 = arith.constant 0 : i32
    %c0_i32_0 = arith.constant 0 : i32
    %c0_i32_1 = arith.constant 0 : i32
    return %arg0, %c0_i32, %c0_i32_0 : i32, i32, i32
  }
  func.func @transform_2(%arg0: i32) -> (i32, i32) {
    %c0_i32 = arith.constant 0 : i32
    %c0_i32_0 = arith.constant 0 : i32
    return %arg0, %c0_i32 : i32, i32
  }
}

module attributes {stable_mosaic.version = 14 : i64} {
  func.func @_tc_scan_kernel(%arg0: memref<16384x128xf32, #tpu.memory_space<vmem>>, %arg1: memref<1x1xf32, #tpu.memory_space<vmem>>) attributes {dimension_semantics = [], scalar_prefetch = 0 : i64, scratch_operands = 0 : i64, tpu.core_type = #tpu.core_type<tc>} {
    %get3A = arith.constant 0 : index
    %get3A_0 = arith.constant 0 : index
    %get3A_1 = vector.load %arg0[%get3A, %get3A_0] : memref<16384x128xf32, #tpu.memory_space<vmem>>, vector<16384x128xf32>
    %reshape3A = vector.shape_cast %get3A_1 : vector<16384x128xf32> to vector<32x4x128x128xf32>
    %reduce_sum3A = arith.constant dense<0.000000e+00> : vector<4x128x128xf32>
    %reduce_sum3A_2 = vector.multi_reduction <add>, %reshape3A, %reduce_sum3A [0] : vector<32x4x128x128xf32> to vector<4x128x128xf32>
    %slice3A = vector.extract_strided_slice %reduce_sum3A_2 {offsets = [0, 0, 0], sizes = [1, 128, 128], strides = [1, 1, 1]} : vector<4x128x128xf32> to vector<1x128x128xf32>
    %squeeze3A = vector.shape_cast %slice3A : vector<1x128x128xf32> to vector<128x128xf32>
    %slice3A_3 = vector.extract_strided_slice %reduce_sum3A_2 {offsets = [1, 0, 0], sizes = [1, 128, 128], strides = [1, 1, 1]} : vector<4x128x128xf32> to vector<1x128x128xf32>
    %squeeze3A_4 = vector.shape_cast %slice3A_3 : vector<1x128x128xf32> to vector<128x128xf32>
    %slice3A_5 = vector.extract_strided_slice %reduce_sum3A_2 {offsets = [2, 0, 0], sizes = [1, 128, 128], strides = [1, 1, 1]} : vector<4x128x128xf32> to vector<1x128x128xf32>
    %squeeze3A_6 = vector.shape_cast %slice3A_5 : vector<1x128x128xf32> to vector<128x128xf32>
    %slice3A_7 = vector.extract_strided_slice %reduce_sum3A_2 {offsets = [3, 0, 0], sizes = [1, 128, 128], strides = [1, 1, 1]} : vector<4x128x128xf32> to vector<1x128x128xf32>
    %squeeze3A_8 = vector.shape_cast %slice3A_7 : vector<1x128x128xf32> to vector<128x128xf32>
    %iota3A = tpu.iota {dimensions = array<i32: 0>} : vector<128x128xi32>
    %iota3A_9 = tpu.iota {dimensions = array<i32: 1>} : vector<128x128xi32>
    %ge3A = arith.cmpi sge, %iota3A, %iota3A_9 : vector<128x128xi32>
    %convert_element_type3A = arith.extui %ge3A : vector<128x128xi1> to vector<128x128xi32>
    %convert_element_type3A_10 = arith.sitofp %convert_element_type3A : vector<128x128xi32> to vector<128x128xf32>
    %lt3A = arith.cmpi slt, %iota3A, %iota3A_9 : vector<128x128xi32>
    %convert_element_type3A_11 = arith.extui %lt3A : vector<128x128xi1> to vector<128x128xi32>
    %convert_element_type3A_12 = arith.sitofp %convert_element_type3A_11 : vector<128x128xi32> to vector<128x128xf32>
    %dot_general3A = arith.constant dense<0.000000e+00> : vector<128x128xf32>
    %dot_general3A_13 = tpu.matmul %squeeze3A, %convert_element_type3A_10, %dot_general3A {dimension_numbers = #tpu.dot_dimension_numbers<[1], [0], [0], [1], [0, 0, 1, 1], [], []>, transpose_lhs_hint = false} : vector<128x128xf32>, vector<128x128xf32>, vector<128x128xf32> -> vector<128x128xf32>
    %dot_general3A_14 = arith.constant dense<0.000000e+00> : vector<128x128xf32>
    %dot_general3A_15 = tpu.matmul %squeeze3A_4, %convert_element_type3A_10, %dot_general3A_14 {dimension_numbers = #tpu.dot_dimension_numbers<[1], [0], [0], [1], [0, 0, 1, 1], [], []>, transpose_lhs_hint = false} : vector<128x128xf32>, vector<128x128xf32>, vector<128x128xf32> -> vector<128x128xf32>
    %slice3A_16 = vector.extract_strided_slice %dot_general3A_13 {offsets = [0, 0], sizes = [128, 1], strides = [1, 1]} : vector<128x128xf32> to vector<128x1xf32>
    %slice3A_17 = vector.extract_strided_slice %dot_general3A_15 {offsets = [0, 0], sizes = [128, 1], strides = [1, 1]} : vector<128x128xf32> to vector<128x1xf32>
    %dot_general3A_18 = arith.constant dense<0.000000e+00> : vector<128x1xf32>
    %dot_general3A_19 = tpu.matmul %convert_element_type3A_12, %slice3A_16, %dot_general3A_18 {dimension_numbers = #tpu.dot_dimension_numbers<[1], [0], [0], [1], [0, 0, 1, 1], [], []>, transpose_lhs_hint = false} : vector<128x128xf32>, vector<128x1xf32>, vector<128x1xf32> -> vector<128x1xf32>
    %dot_general3A_20 = arith.constant dense<0.000000e+00> : vector<128x1xf32>
    %dot_general3A_21 = tpu.matmul %convert_element_type3A_12, %slice3A_17, %dot_general3A_20 {dimension_numbers = #tpu.dot_dimension_numbers<[1], [0], [0], [1], [0, 0, 1, 1], [], []>, transpose_lhs_hint = false} : vector<128x128xf32>, vector<128x1xf32>, vector<128x1xf32> -> vector<128x1xf32>
    %add3A = vector.broadcast %dot_general3A_19 : vector<128x1xf32> to vector<128x128xf32>
    %add3A_22 = arith.addf %dot_general3A_13, %add3A : vector<128x128xf32>
    %add3A_23 = vector.broadcast %dot_general3A_21 : vector<128x1xf32> to vector<128x128xf32>
    %add3A_24 = arith.addf %dot_general3A_15, %add3A_23 : vector<128x128xf32>
    %sub3A = arith.subf %add3A_22, %squeeze3A : vector<128x128xf32>
    %reduce_sum3A_25 = vector.shape_cast %squeeze3A_4 : vector<128x128xf32> to vector<1x128x128xf32>
    %reduce_sum3A_26 = arith.constant dense<0.000000e+00> : vector<1xf32>
    %reduce_sum3A_27 = vector.multi_reduction <add>, %reduce_sum3A_25, %reduce_sum3A_26 [1, 2] : vector<1x128x128xf32> to vector<1xf32>
    %reduce_sum3A_28 = vector.shape_cast %reduce_sum3A_27 : vector<1xf32> to vector<1x1x1xf32>
    %reduce_sum3A_29 = vector.extract %reduce_sum3A_28[0, 0, 0] : f32 from vector<1x1x1xf32>
    %add3A_30 = vector.broadcast %reduce_sum3A_29 : f32 to vector<128x128xf32>
    %add3A_31 = arith.addf %add3A_30, %sub3A : vector<128x128xf32>
    %max3A = arith.constant 1.000000e+00 : f32
    %max3A_32 = vector.broadcast %max3A : f32 to vector<128x128xf32>
    %max3A_33 = arith.maximumf %add3A_31, %max3A_32 : vector<128x128xf32>
    %add3A_34 = vector.broadcast %reduce_sum3A_29 : f32 to vector<128x128xf32>
    %add3A_35 = arith.addf %add3A_34, %sub3A : vector<128x128xf32>
    %add3A_36 = arith.addf %add3A_35, %squeeze3A : vector<128x128xf32>
    %max3A_37 = arith.constant 1.000000e+00 : f32
    %max3A_38 = vector.broadcast %max3A_37 : f32 to vector<128x128xf32>
    %max3A_39 = arith.maximumf %add3A_36, %max3A_38 : vector<128x128xf32>
    %div3A = arith.divf %squeeze3A_8, %max3A_33 : vector<128x128xf32>
    %sub3A_40 = vector.broadcast %reduce_sum3A_29 : f32 to vector<128x128xf32>
    %sub3A_41 = arith.subf %sub3A_40, %add3A_24 : vector<128x128xf32>
    %mul3A = arith.mulf %squeeze3A_6, %sub3A_41 : vector<128x128xf32>
    %mul3A_42 = arith.mulf %max3A_33, %max3A_39 : vector<128x128xf32>
    %div3A_43 = arith.divf %mul3A, %mul3A_42 : vector<128x128xf32>
    %add3A_44 = arith.addf %div3A, %div3A_43 : vector<128x128xf32>
    %reduce_sum3A_45 = vector.shape_cast %add3A_44 : vector<128x128xf32> to vector<1x128x128xf32>
    %reduce_sum3A_46 = arith.constant dense<0.000000e+00> : vector<1xf32>
    %reduce_sum3A_47 = vector.multi_reduction <add>, %reduce_sum3A_45, %reduce_sum3A_46 [1, 2] : vector<1x128x128xf32> to vector<1xf32>
    %reduce_sum3A_48 = vector.shape_cast %reduce_sum3A_47 : vector<1xf32> to vector<1x1x1xf32>
    %reduce_sum3A_49 = vector.extract %reduce_sum3A_48[0, 0, 0] : f32 from vector<1x1x1xf32>
    %broadcast_in_dim3A = vector.broadcast %reduce_sum3A_49 : f32 to vector<1x1xf32>
    %swap3A = arith.constant 0 : index
    %swap3A_50 = arith.constant 0 : index
    %swap3A_51 = vector.load %arg1[%swap3A, %swap3A_50] : memref<1x1xf32, #tpu.memory_space<vmem>>, vector<1x1xf32>
    tpu.vector_store %arg1[%swap3A, %swap3A_50], %broadcast_in_dim3A {strides = array<i32>} : memref<1x1xf32, #tpu.memory_space<vmem>>, vector<1x1xf32>,
    return
  }
}

</mosaic_0001>

<sc_bundles>
// kernel: kernel.5.cloned.1.call-start
scs
__scs_entry_jumppad:
0x0: {  	(pc) =	sbr.rel $0x88, $3  }
0x1: {  	(tag) =	ssettag $0x0;
	lr =	simm.s32 $0x1  }
0x2: {  	[smem:$0x3F9F] =	sst lr;
	_ =	strace $0xD0000000  }
0x3: {  	_ = 	snop  }
0x4: {  	_ = 	snop  }
0x5: {  	_ = 	snop  }
0x6: {  	_ = 	snop  }
0x7: {  	_ = 	snop  }
__scs_overlays_trampoline_lowered:
0x8: {  	[smem:$0x3FAE] =	sst s0  }
0x9: {  	[smem:$0x3FAF] =	sst s1  }
0xa: {  	[smem:$0x3FB0] =	sst s2  }
0xb: {  	[smem:$0x3FB1] =	sst s3  }
0xc: {  	[smem:$0x3FB2] =	sst s4  }
0xd: {  	[smem:$0x3FB3] =	sst s5  }
0xe: {  	[smem:$0x3FB4] =	sst s6  }
0xf: {  	[smem:$0x3FB5] =	sst s7  }
0x10: {  	[smem:$0x3FB6] =	sst s8  }
0x11: {  	[smem:$0x3FB7] =	sst s9;
	s0 =	simm.s32 @!p0 $0x0  }
0x12: {  	s1 =	sld [smem:$0x3F9D];
	s0 =	simm.s32 @p0 $0x1  }
0x13: {  	[smem:$0x3FB8] =	sst s0;
	s0 =	simm.s32 @!p1 $0x0  }
0x14: {  	s2 =	sld [smem:$0x3F9C];
	s0 =	simm.s32 @p1 $0x1  }
0x15: {  	[smem:$0x3FB9] =	sst s0;
	s0 =	simm.s32 @!p2 $0x0  }
0x16: {  	s3 =	sld [smem:$0x3FDB];
	s0 =	simm.s32 @p2 $0x1  }
0x17: {  	s4 =	simm.s32 $0x1BF5;
	[smem:$0x3FBB] =	sst s0  }
0x18: {  	s0 =	sld [smem:$0x3F9E];
	_ =	swait.ge [sflag:s4], $0x0  }
0x19: {  	s7 =	sld [smem:$0x3F9F]  }
0x1a: {  	s8 =	sadd.s32 $0xFFFFE003, lr  }
0x1b: {  	s9 =	sadd.s32 $0xFFFFFEF7, lr;
	s5 =	simm.s32 $0xFFFFFFFF;
	p2 =	slt.u32 s8, $0xFFFFF086  }
0x1c: {  	p1 =	slt.u32 s9, $0xF7A;
	s5 =	simm.s32 @!p2 $0x0  }
0x1d: {  	s5 =	simm.s32 @p1 $0x1;
	p0 =	seq.s32 s7, s2  }
0x1e: {  	s7 =	smul.u32 @!p0 $0xF7A, s2;
	p2 =	seq.s32 @!p0 s5, $0x0  }
0x1f: {  	s9 =	smul.u32 $0xF7A, s1;
	s8 =	simm.s32 @!p0 $0x1BF5;
	p2 =	por !p2, p0  }
0x20: {  	[sflag:s8] =	ssyncset.s32 @!p0 $0xFFFFF086;
	s6 =	sadd.s32 @!p0 s3, s7;
	s7 =	simm.s32 @!p0 $0x108  }
0x21: {  	s3 =	sadd.s32 s3, s9;
	s6 =	sadd.s32 @!p0 $0x88, s6;
	s7 =	simm.s32 @p2 $0x1082  }
0x22: {  	[simem:s7], [sflag:s8] =	dma.local @!p0 [hbm:s6], $0xF7A  }
0x23: {  	s9 =	sor.u32 $0xD0000000, s2;
	s6 =	simm.s32 $0x108;
	_ =	swait.ge @!p0 [sflag:s8], $0x0  }
0x24: {  	s3 =	sadd.s32 $0x88, s3;
	s6 =	simm.s32 @!p1 $0x1082;
	[sflag:s4] =	ssyncset.s32 $0xFFFFF086  }
0x25: {  	[simem:s6], [sflag:s4] =	dma.local [hbm:s3], $0xF7A  }
0x26: {  	[smem:$0x3F9F] =	sst s1;
	(tag) =	ssettag s2;
	_ =	strace s9  }
0x27: {  	s1 =	sld [smem:$0x3FAF]  }
0x28: {  	s2 =	sld [smem:$0x3FB0]  }
0x29: {  	s4 =	sld [smem:$0x3FB2]  }
0x2a: {  	p0 =	seq.s32 s5, $0x0;
	s5 =	sld [smem:$0x3FB3]  }
0x2b: {  	s6 =	sld [smem:$0x3FB4]  }
0x2c: {  	s7 =	sld [smem:$0x3FB5]  }
0x2d: {  	s3 =	simm.s32 $0x108;
	s8 =	sld [smem:$0x3FB6]  }
0x2e: {  	s3 =	simm.s32 @!p0 $0x1082;
	s9 =	sld [smem:$0x3FB7]  }
0x2f: {  	lr =	sadd.s32 s0, s3;
	s0 =	sld [smem:$0x3FAE]  }
0x30: {  	s3 =	sld [smem:$0x3FB1]  }
0x31: {  	[smem:$0x3FBA] =	sst s10  }
0x32: {  	s10 =	sld [smem:$0x3FB8];
	_ =	sdelay $0x3  }
0x33: {  	p0 =	seq.s32 s10, $0x1;
	s10 =	sld [smem:$0x3FBA];
	_ =	sdelay $0x3  }
0x34: {  	[smem:$0x3FBA] =	sst s10  }
0x35: {  	s10 =	sld [smem:$0x3FB9];
	_ =	sdelay $0x3  }
0x36: {  	p1 =	seq.s32 s10, $0x1;
	s10 =	sld [smem:$0x3FBA];
	_ =	sdelay $0x3  }
0x37: {  	[smem:$0x3FBA] =	sst s10  }
0x38: {  	s10 =	sld [smem:$0x3FBB]  }
0x39: {  	_ = 	snop;
	(pc) =	sbr.ind lr, $3  }
0x3a: {  	_ = 	snop  }
0x3b: {  	_ = 	snop  }
0x3c: {  	p2 =	seq.s32 s10, $0x1;
	s10 =	sld [smem:$0x3FBA]  }
0x3d: {  	_ =	shalt  }
0x3e: {  	_ =	shalt  }
0x3f: {  	_ =	shalt  }
0x40: {  	_ =	shalt  }
0x41: {  	_ =	shalt  }
0x42: {  	_ =	shalt  }
0x43: {  	_ =	shalt  }
0x44: {  	_ =	shalt  }
0x45: {  	_ =	shalt  }
0x46: {  	_ =	shalt  }
0x47: {  	_ =	shalt  }
0x48: {  	_ =	shalt  }
0x49: {  	_ =	shalt  }
0x4a: {  	_ =	shalt  }
0x4b: {  	_ =	shalt  }
0x4c: {  	_ =	shalt  }
0x4d: {  	_ =	shalt  }
0x4e: {  	_ =	shalt  }
0x4f: {  	_ =	shalt  }
0x50: {  	_ =	shalt  }
0x51: {  	_ =	shalt  }
0x52: {  	_ =	shalt  }
0x53: {  	_ =	shalt  }
0x54: {  	_ =	shalt  }
0x55: {  	_ =	shalt  }
0x56: {  	_ =	shalt  }
0x57: {  	_ =	shalt  }
0x58: {  	_ =	shalt  }
0x59: {  	_ =	shalt  }
0x5a: {  	_ =	shalt  }
0x5b: {  	_ =	shalt  }
0x5c: {  	_ =	shalt  }
0x5d: {  	_ =	shalt  }
0x5e: {  	_ =	shalt  }
0x5f: {  	_ =	shalt  }
0x60: {  	_ =	shalt  }
0x61: {  	_ =	shalt  }
0x62: {  	_ =	shalt  }
0x63: {  	_ =	shalt  }
0x64: {  	_ =	shalt  }
0x65: {  	_ =	shalt  }
0x66: {  	_ =	shalt  }
0x67: {  	_ =	shalt  }
0x68: {  	_ =	shalt  }
0x69: {  	_ =	shalt  }
0x6a: {  	_ =	shalt  }
0x6b: {  	_ =	shalt  }
0x6c: {  	_ =	shalt  }
0x6d: {  	_ =	shalt  }
0x6e: {  	_ =	shalt  }
0x6f: {  	_ =	shalt  }
0x70: {  	_ =	shalt  }
0x71: {  	_ =	shalt  }
0x72: {  	_ =	shalt  }
0x73: {  	_ =	shalt  }
0x74: {  	_ =	shalt  }
0x75: {  	_ =	shalt  }
0x76: {  	_ =	shalt  }
0x77: {  	_ =	shalt  }
0x78: {  	_ =	shalt  }
0x79: {  	_ =	shalt  }
0x7a: {  	_ =	shalt  }
0x7b: {  	_ =	shalt  }
0x7c: {  	_ =	shalt  }
0x7d: {  	_ =	shalt  }
0x7e: {  	_ =	shalt  }
0x7f: {  	_ =	shalt  }
0x80: {  	_ =	shalt  }
0x81: {  	_ =	shalt  }
0x82: {  	_ =	shalt  }
0x83: {  	_ =	shalt  }
0x84: {  	_ =	shalt  }
0x85: {  	_ =	shalt  }
0x86: {  	_ =	shalt  }
0x87: {  	_ =	shalt  }
.Lfunc_end0:
.L_simem_size_0:
called_computation_lowered:
.L_overlay_start_0:
0x88: {  	s2 =	sld [smem:$0x3FD9]  }
0x89: {  	s3 =	sld [smem:$0x3FFE];
	_ =	sdelay $0x1  }
0x8a: {  	s1 =	srdreg.scid  }
0x8b: {  	s0 =	sand.u32 $0x1, s1  }
0x8c: {  	s16 =	sshll.u32 s0, $0xA;
	s2 =	sadd.s32 s3, s2  }
0x8d: {  	s2 =	sadd.s32 s2, s16  }
0x8e: {  	[smem:$0x3FC6] =	sst s2  }
0x8f: {  	_ = 	snop  }
0x90: {  	(tm) =	ssettm $0x1  }
0x91: {  	s17 =	sld [smem:$0x3FFB];
	_ =	sdelay $0x3  }
0x92: {  	_ =	strace s17  }
0x93: {  	s2 =	sld [smem:$0x3FFC];
	_ =	sdelay $0x3  }
0x94: {  	_ =	strace s2  }
0x95: {  	s2 =	sld [smem:$0x3FFD];
	_ =	sdelay $0x3  }
0x96: {  	_ =	strace s2  }
0x97: {  	_ =	strace $0x8FFFFFFF  }
0x98: {  	s18 =	sld [smem:$0x3FDB];
	_ =	sdelay $0x1  }
0x99: {  	s19 =	simm.s32 $_scs_section_size  }
0x9a: {  	s4 =	simm.s32 $_size__tile_overlayer_lowered;
	s5 =	simm.s32 $_tile_overlayer_lowered  }
0x9b: {  	s22 =	simm.s32 $0x1BFF;
	s21 =	sshll.u32 s5, $0x1;
	s2 =	sadd.s32 s19, s18  }
0x9c: {  	s6 =	simm.s32 $0x0;
	s20 =	sshll.u32 s4, $0x1;
	s4 =	sadd.s32 s21, s2  }
0x9d: {  	[timem:s6], [sflag:s22] =	dma.local [hbm:s4], s20  }
0x9e: {  	_ =	swait.ge [sflag:s22], s20  }
0x9f: {  	s3 =	ssub.s32 $0x0, s20;
	[sflag:s22] =	ssyncset.done $0x0  }
0xa0: {  	[sflag:s22] =	ssyncadd.s32 s3;
	_ =	sdelay $0x1  }
0xa1: {  	s23 =	simm.s32 $0x1B8B  }
0xa2: {  	_ =	swait.ge [sflag:s23], $0x1  }
0xa3: {  	[sflag:s23] =	ssyncset.done $0x0  }
0xa4: {  	s25 =	simm.s32 $0x1B8E;
	s24 =	sld [smem:$0x3FFE];
	[sflag:s23] =	ssyncadd.s32 $0xFFFFFFFF  }
0xa5: {  	s26 =	simm.s32 $execute0_lowered;
	[smem:$0x3FD2] =	sst s25  }
0xa6: {  	s4 =	sshll.u32 s26, $0x1;
	_ =	strace $0x80000046;
	[dreg:$0x1] =	wrdreg $0xFFFFFFFF  }
0xa7: {  	s28 =	simm.s32 $_size_execute0_lowered;
	s2 =	sadd.s32 s2, s4;
	[dreg:$0x0] =	wrdreg $0x0  }
0xa8: {  	s4 =	sshll.u32 s28, $0x1;
	[dreg:$0x2] =	wrdreg s2  }
0xa9: {  	[dreg:$0x3] =	wrdreg s4  }
0xaa: {  	[dreg:$0x4] =	wrdreg $0xC0  }
0xab: {  	_ =	task [dreg:s6], $0x5FFFF  }
0xac: {  	[dreg:$0x1] =	wrdreg $0xFFFFFFFF  }
0xad: {  	[dreg:$0x0] =	wrdreg $0x60  }
0xae: {  	[dreg:$0x2] =	wrdreg s24  }
0xaf: {  	[dreg:$0x3] =	wrdreg $0x9  }
0xb0: {  	_ =	task.clear_ibuf [dreg:s6], $0x4FFFF;
	_ =	strace $0x90000046  }
0xb1: {  	s29 =	simm.s32 $0x9;
	_ =	strace $0x80000048  }
0xb2: {  	_ =	swait.ge [sflag:s29], $0x1  }
0xb3: {  	[sflag:s29] =	ssyncadd.s32 $0xFFFFFFFF  }
0xb4: {  	_ =	strace $0x90000048  }
0xb5: {  	_ =	sfence  }
0xb6: {  	s30 =	sld [smem:$0x0];
	_ =	sdelay $0x2  }
0xb7: {  	s31 =	sshll.u32 s1, $0xD;
	s1 =	sshrl.u32 s1, $0x2  }
0xb8: {  	s3 =	sand.u32 $0x4000, s31;
	s1 =	sadd.s32 s1, s30  }
0xb9: {  	s0 =	sor.u32 s3, s0;
	s1 =	sshll.u32 s1, $0x11  }
0xba: {  	s0 =	sor.u32 s1, s0  }
0xbb: {  	s0 =	sadd.s32 $0x8F2B, s0  }
0xbc: {  	[sflag:s0] =	ssyncadd.remote.s32 $0x1  }
0xbd: {  	_ =	sfence.sel $0xFFFF  }
0xbe: {  	[dreg:$0x0] =	wrdreg $0xFFFFFFFF;
	(pc) =	sbr.abs _section_cstart, $3  }
0xbf: {  	[dreg:$0x1] =	wrdreg $0xFFFFFFFF  }
0xc0: {  	_ =	task.clear_ibuf [dreg:s6], $0x2FFFF;
	_ =	strace $0x9FFFFFFF  }
0xc1: {  	(tm) =	ssettm $0x7FFFFFFF  }
tec
execute0_lowered:
.L_overlay_start_1:
0x0: {  	(tag) =	ssettag $0x1  }
0x1: {  	s3 =	rddreg [dreg:$0x0]  }
0x2: {  	s0 =	rddreg [dreg:$0x1];
	s4 =	srdreg.scid  }
0x3: {  	s2 =	simm.s32 $0x0;
	s1 =	stileid.u32;
	s9 =	simm.s32 $0x10000  }
0x4: {  	s10 =	simm.s32 $0x14000;
	s11 =	simm.s32 $0x1;
	s12 =	simm.s32 $0x2  }
0x5: {  	s13 =	simm.s32 $0x3;
	s14 =	simm.s32 $0x0;
	s4 =	sand.u32 $0x1, s4  }
0x6: {  	s5 =	sshll.u32 s1, $0xE;
	s6 =	sshll.u32 s4, $0xD;
	s4 =	ssub.s32 $0x2, s4  }
0x7: {  	[smem:$0x7FF] =	sst s2;
	s5 =	sor.u32 s6, s5;
	s31 =	sshrl.u32 s4, $0x1  }
0x8: {  	_ =	strace $0x80000047;
	s7 =	sadd.s32 s5, s3;
	s8 =	ssub.s32 s4, s31  }
0x9: {  	s3 =	sadd.s32 $0xA00, s7;
	s4 =	sadd.s32 $0x1200, s7;
	s5 =	sadd.s32 $0x1A00, s7  }
0xa: {  	v0 =	vimm.f32 $0.0e+00;
	v1 =	vimm.f32 $1.000000000e+00;
	s6 =	sadd.s32 $0x2200, s7;
	s7 =	sadd.s32 $0x40A00, s7;
	s8 =	smax.u32 s8, $0x1  }
.LBB2_1:
0xb: {  	s15 =	simm.s32 $0x40  }
0xc: {  	[tilespmem:s15+$0xFFFFFFC0] =	vst v0  }
0xd: {  	[tilespmem:s15+$0x30] =	vst v0  }
0xe: {  	[tilespmem:s15+$0x20] =	vst v0  }
0xf: {  	[tilespmem:s15+$0x10] =	vst v0  }
0x10: {  	[tilespmem:s15+$0x0] =	vst v0  }
0x11: {  	[tilespmem:s15+$0xFFFFFFF0] =	vst v0  }
0x12: {  	s16 =	simm.s32 $0x0;
	[tilespmem:s15+$0xFFFFFFE0] =	vst v0  }
.LBB2_2:
0x13: {  	s16 =	sadd.s32 $0x8, s16;
	[tilespmem:s15+$0xFFFFFFD0] =	vst v0;
	s15 =	sadd.s32 $0x80, s15  }
0x14: {  	[tilespmem:s15+$0xFFFFFFC0] =	vst v0;
	p0 =	slt.u32 s16, $0xFF8  }
0x15: {  	[tilespmem:s15+$0x30] =	vst v0  }
.Ltmp0:
0x16: {  	[tilespmem:s15+$0x20] =	vst v0;
	(pc) =	sbr.rel @p0 .LBB2_2-.Ltmp0, $4  }
0x17: {  	[tilespmem:s15+$0x10] =	vst v0  }
0x18: {  	[tilespmem:s15+$0x0] =	vst v0  }
0x19: {  	[tilespmem:s15+$0xFFFFFFF0] =	vst v0  }
0x1a: {  	[tilespmem:s15+$0xFFFFFFE0] =	vst v0  }
0x1b: {  	[tilespmem:s15+$0xFFFFFFD0] =	vst v0  }
0x1c: {  	[tilespmem:s9], [sflag:$0x1] =	stream.linear.gather [hbm4b:s3+s2], $0x4000, $0x38;
	[tilespmem:$0x18000] =	vst v63  }
0x1d: {  	_ = 	snop  }
0x1e: {  	[tilespmem:s10], [sflag:$0x2] =	stream.linear.gather [hbm4b:s4+s2], $0x4000, $0x38;
	[tilespmem:$0x18000] =	vst v63  }
0x1f: {  	_ =	swait.ge [sflag:s11], $0x4000  }
0x20: {  	[sflag:s11] =	ssyncset.done $0x0  }
0x21: {  	s31 =	simm.s32 $0x10040;
	[sflag:s11] =	ssyncadd.s32 $0xFFFFC000  }
0x22: {  	v4 =	vld [tilespmem:s31+$0xFFFFFFC0]  }
0x23: {  	v5 =	vld [tilespmem:s31+$0x20]  }
0x24: {  	v7 =	vld [tilespmem:s31+$0x30]  }
0x25: {  	v2 =	vld [tilespmem:s31+$0xFFFFFFE0]  }
0x26: {  	v3 =	vld [tilespmem:s31+$0xFFFFFFF0]  }
0x27: {  	v10 =	vld [tilespmem:s31+$0x0]  }
0x28: {  	v9 =	vld [tilespmem:s31+$0xFFFFFFD0]  }
0x29: {  	v6 =	vld [tilespmem:s31+$0x10]  }
0x2a: {  	v8 =	vshll.u32 v4, $0xE;
	vm0 =	vgt.s32 v5, $0x0  }
0x2b: {  	v21 =	vshll.u32 v5, $0xE;
	v12 =	vshll.u32 v7, $0xE;
	vm1 =	vgt.s32 v7, $0x0  }
0x2c: {  	vm11 =	vgt.s32 v4, $0x0;
	vm2 =	vgt.s32 v2, $0x0;
	v16 =	vshll.u32 v2, $0xE  }
0x2d: {  	vm12 =	vgt.s32 v3, $0x0;
	vm13 =	vgt.s32 v10, $0x0;
	v19 =	vshll.u32 v10, $0xE  }
0x2e: {  	vm14 =	vgt.s32 v9, $0x0;
	vm15 =	vgt.s32 v6, $0x0;
	v11 =	vnsel vm0, $0x0, v5  }
0x2f: {  	v13 =	vnsel vm1, $0x0, v7;
	v15 =	vnsel vm2, $0x0, v2;
	v18 =	vnsel vm13, $0x0, v10  }
0x30: {  	v14 =	vshrl.u32 v13, $0x11;
	v13 =	vshll.u32 v3, $0xE;
	v17 =	vshrl.u32 v11, $0x11  }
0x31: {  	v11 =	vnsel vm14, $0x0, v9;
	v20 =	vand.u32 $0x4000, v13;
	v13 =	vshll.u32 v9, $0xE  }
0x32: {  	v19 =	vand.u32 $0x4000, v19;
	v11 =	vshrl.u32 v11, $0x11;
	v13 =	vand.u32 $0x4000, v13  }
0x33: {  	v23 =	vnsel vm12, $0x0, v3;
	v24 =	vnsel vm15, $0x0, v6;
	v22 =	vor.u32 v13, v11  }
0x34: {  	v25 =	vand.u32 $0x4000, v12;
	v21 =	vand.u32 $0x4000, v21;
	v23 =	vshrl.u32 v23, $0x11  }
0x35: {  	v18 =	vshrl.u32 v18, $0x11;
	v24 =	vshrl.u32 v24, $0x11;
	v12 =	vor.u32 v20, v23  }
0x36: {  	v20 =	vor.u32 v25, v14;
	v14 =	vnsel vm11, $0x0, v4;
	v11 =	vshll.u32 v6, $0xE  }
0x37: {  	v18 =	vor.u32 v19, v18;
	v19 =	vshrl.u32 v14, $0x11;
	v23 =	vand.u32 $0x4000, v11  }
0x38: {  	s15 =	simm.s32 $0x0;
	s16 =	simm.s32 $0x100C0;
	v13 =	vor.u32 $0x8000, v22;
	v11 =	vor.u32 $0x8000, v12;
	v14 =	vor.u32 v23, v24;
	[tilespmem:v22+s2+$0x0] =	vst.idx.add.f32.msk $0xffff, v1  }
.LBB2_4:
0x39: {  	v22 =	vld [tilespmem:s16+$0xFFFFFFD0];
	s15 =	sadd.s32 $0x8, s15;
	v23 =	vor.u32 $0x8000, v18;
	v17 =	vor.u32 v21, v17;
	v21 =	vor.u32 $0x8000, v20  }
0x3a: {  	v15 =	vshrl.u32 v15, $0x11;
	v16 =	vand.u32 $0x4000, v16;
	v24 =	vld [tilespmem:s16+$0xFFFFFFC0];
	p0 =	slt.u32 s15, $0x3F8;
	v25 =	vor.u32 $0x8000, v17  }
0x3b: {  	v26 =	vor.u32 v16, v15;
	[tilespmem:v20+s2+$0x0] =	vst.idx.add.f32.msk $0xffff, v1  }
0x3c: {  	v20 =	vor.u32 $0x8000, v26;
	v15 =	vld [tilespmem:s16+$0x20]  }
0x3d: {  	v16 =	vld [tilespmem:s16+$0x30]  }
0x3e: {  	v27 =	vmax.f32 v4, $0.0e+00;
	v28 =	vmax.f32 v3, $0.0e+00;
	[tilespmem:v17+s2+$0x0] =	vst.idx.add.f32.msk $0xffff, v1  }
0x3f: {  	v29 =	vmax.f32 v2, $0.0e+00;
	v17 =	vand.u32 $0x4000, v8;
	v8 =	vshll.u32 v24, $0xE;
	v2 =	vld [tilespmem:s16+$0xFFFFFFE0];
	v4 =	vmovc v24  }
0x40: {  	v19 =	vor.u32 v17, v19;
	v17 =	vmax.f32 v9, $0.0e+00;
	v24 =	vmax.f32 v5, $0.0e+00;
	v9 =	vmovc v22;
	v3 =	vld [tilespmem:s16+$0xFFFFFFF0]  }
0x41: {  	v31 =	vor.u32 $0x8000, v19;
	v22 =	vld [tilespmem:s16+$0x0];
	vm0 =	vgt.s32 v15, $0x0;
	v30 =	vshll.u32 v15, $0xE;
	v5 =	vmovc v15  }
0x42: {  	v15 =	vmax.f32 v7, $0.0e+00;
	v32 =	vnsel vm0, $0x0, v5;
	v33 =	vshll.u32 v16, $0xE;
	[tilespmem:v18+s2+$0x0] =	vst.idx.add.f32.msk $0xffff, v1;
	v7 =	vmovc v16  }
0x43: {  	v34 =	vmax.f32 v6, $0.0e+00;
	v18 =	vmax.f32 v10, $0.0e+00;
	vm1 =	vgt.s32 v7, $0x0;
	[tilespmem:v21+s2+$0x0] =	vst.idx.add.f32.msk $0xffff, v15  }
0x44: {  	vm0 =	vgt.s32 v4, $0x0;
	vm2 =	vgt.s32 v2, $0x0;
	v6 =	vld [tilespmem:s16+$0x10];
	v35 =	vnsel vm1, $0x0, v7  }
0x45: {  	v16 =	vshll.u32 v2, $0xE;
	v15 =	vnsel vm2, $0x0, v2;
	v21 =	vshrl.u32 v35, $0x11;
	[tilespmem:v26+s2+$0x0] =	vst.idx.add.f32.msk $0xffff, v1  }
0x46: {  	vm1 =	vgt.s32 v3, $0x0;
	v26 =	vshll.u32 v3, $0xE;
	vm2 =	vgt.s32 v22, $0x0;
	[tilespmem:v13+s2+$0x0] =	vst.idx.add.f32.msk $0xffff, v17;
	v10 =	vmovc v22  }
0x47: {  	v13 =	vnsel vm2, $0x0, v10;
	v22 =	vshll.u32 v10, $0xE;
	[tilespmem:v23+s2+$0x0] =	vst.idx.add.f32.msk $0xffff, v18;
	v18 =	vor.u32 $0x8000, v14  }
0x48: {  	v17 =	vshrl.u32 v32, $0x11;
	vm2 =	vgt.s32 v9, $0x0;
	v23 =	vand.u32 $0x4000, v26;
	[tilespmem:v25+s2+$0x0] =	vst.idx.add.f32.msk $0xffff, v24  }
0x49: {  	v24 =	vnsel vm2, $0x0, v9;
	v25 =	vshll.u32 v9, $0xE;
	vm2 =	vgt.s32 v6, $0x0;
	[tilespmem:v14+s2+$0x0] =	vst.idx.add.f32.msk $0xffff, v1  }
0x4a: {  	v22 =	vand.u32 $0x4000, v22;
	v14 =	vshrl.u32 v24, $0x11;
	v24 =	vand.u32 $0x4000, v25;
	[tilespmem:v12+s2+$0x0] =	vst.idx.add.f32.msk $0xffff, v1  }
0x4b: {  	v25 =	vshll.u32 v6, $0xE;
	v14 =	vor.u32 v24, v14;
	v24 =	vshrl.u32 v13, $0x11;
	[tilespmem:v19+s2+$0x0] =	vst.idx.add.f32.msk $0xffff, v1  }
.Ltmp1:
0x4c: {  	v12 =	vnsel vm1, $0x0, v3;
	v13 =	vor.u32 $0x8000, v14;
	v19 =	vnsel vm2, $0x0, v6;
	[tilespmem:v31+s2+$0x0] =	vst.idx.add.f32.msk $0xffff, v27;
	(pc) =	sbr.rel @p0 .LBB2_4-.Ltmp1, $4  }
0x4d: {  	v12 =	vshrl.u32 v12, $0x11;
	v26 =	vshrl.u32 v19, $0x11;
	v19 =	vand.u32 $0x4000, v33;
	[tilespmem:v20+s2+$0x0] =	vst.idx.add.f32.msk $0xffff, v29  }
0x4e: {  	v12 =	vor.u32 v23, v12;
	v23 =	vand.u32 $0x4000, v25;
	v20 =	vor.u32 v19, v21;
	[tilespmem:v18+s2+$0x0] =	vst.idx.add.f32.msk $0xffff, v34  }
0x4f: {  	v19 =	vnsel vm0, $0x0, v4;
	v18 =	vor.u32 v22, v24;
	[tilespmem:v11+s2+$0x0] =	vst.idx.add.f32.msk $0xffff, v28;
	v11 =	vor.u32 $0x8000, v12  }
0x50: {  	s16 =	sadd.s32 $0x80, s16;
	v21 =	vand.u32 $0x4000, v30;
	v19 =	vshrl.u32 v19, $0x11;
	[tilespmem:v14+s2+$0x0] =	vst.idx.add.f32.msk $0xffff, v1;
	v14 =	vor.u32 v23, v26  }
0x51: {  	_ =	sdelay $0x1  }
0x52: {  	v17 =	vor.u32 v21, v17  }
0x53: {  	v21 =	vor.u32 $0x8000, v20  }
0x54: {  	v15 =	vshrl.u32 v15, $0x11;
	v16 =	vand.u32 $0x4000, v16;
	[tilespmem:v20+s2+$0x0] =	vst.idx.add.f32.msk $0xffff, v1  }
0x55: {  	[tilespmem:v18+s2+$0x0] =	vst.idx.add.f32.msk $0xffff, v1;
	v15 =	vor.u32 v16, v15;
	v16 =	vor.u32 $0x8000, v18  }
0x56: {  	[tilespmem:v14+s2+$0x0] =	vst.idx.add.f32.msk $0xffff, v1  }
0x57: {  	v7 =	vmax.f32 v7, $0.0e+00;
	[tilespmem:v17+s2+$0x0] =	vst.idx.add.f32.msk $0xffff, v1  }
0x58: {  	v17 =	vor.u32 $0x8000, v17;
	[tilespmem:v21+s2+$0x0] =	vst.idx.add.f32.msk $0xffff, v7;
	v7 =	vand.u32 $0x4000, v8  }
0x59: {  	[tilespmem:v12+s2+$0x0] =	vst.idx.add.f32.msk $0xffff, v1;
	v8 =	vmax.f32 v9, $0.0e+00;
	v9 =	vmax.f32 v10, $0.0e+00;
	v7 =	vor.u32 v7, v19  }
0x5a: {  	[tilespmem:v16+s2+$0x0] =	vst.idx.add.f32.msk $0xffff, v9;
	v9 =	vor.u32 $0x8000, v15  }
0x5b: {  	[tilespmem:v13+s2+$0x0] =	vst.idx.add.f32.msk $0xffff, v8;
	v8 =	vor.u32 $0x8000, v7  }
0x5c: {  	v5 =	vmax.f32 v5, $0.0e+00;
	[tilespmem:v15+s2+$0x0] =	vst.idx.add.f32.msk $0xffff, v1  }
0x5d: {  	[tilespmem:v17+s2+$0x0] =	vst.idx.add.f32.msk $0xffff, v5;
	v5 =	vor.u32 $0x8000, v14  }
0x5e: {  	v2 =	vmax.f32 v2, $0.0e+00;
	[tilespmem:v7+s2+$0x0] =	vst.idx.add.f32.msk $0xffff, v1  }
0x5f: {  	v4 =	vmax.f32 v4, $0.0e+00;
	[tilespmem:v9+s2+$0x0] =	vst.idx.add.f32.msk $0xffff, v2  }
0x60: {  	v2 =	vmax.f32 v3, $0.0e+00;
	[tilespmem:v8+s2+$0x0] =	vst.idx.add.f32.msk $0xffff, v4  }
0x61: {  	v4 =	vmax.f32 v6, $0.0e+00;
	[tilespmem:v11+s2+$0x0] =	vst.idx.add.f32.msk $0xffff, v2  }
0x62: {  	[tilespmem:v5+s2+$0x0] =	vst.idx.add.f32.msk $0xffff, v4  }
0x63: {  	[tilespmem:s9], [sflag:$0x1] =	stream.linear.gather [hbm4b:s5+s2], $0x4000, $0x38;
	[tilespmem:$0x18000] =	vst v63  }
0x64: {  	_ =	swait.ge [sflag:s12], $0x4000  }
0x65: {  	[sflag:s12] =	ssyncset.done $0x0  }
0x66: {  	s15 =	simm.s32 $0x14040;
	[sflag:s12] =	ssyncadd.s32 $0xFFFFC000  }
0x67: {  	v4 =	vld [tilespmem:s15+$0xFFFFFFC0]  }
0x68: {  	v5 =	vld [tilespmem:s15+$0x20]  }
0x69: {  	v7 =	vld [tilespmem:s15+$0x30]  }
0x6a: {  	v2 =	vld [tilespmem:s15+$0xFFFFFFE0]  }
0x6b: {  	v3 =	vld [tilespmem:s15+$0xFFFFFFF0]  }
0x6c: {  	v10 =	vld [tilespmem:s15+$0x0]  }
0x6d: {  	v9 =	vld [tilespmem:s15+$0xFFFFFFD0]  }
0x6e: {  	v6 =	vld [tilespmem:s15+$0x10]  }
0x6f: {  	v8 =	vshll.u32 v4, $0xE;
	vm0 =	vgt.s32 v5, $0x0  }
0x70: {  	v21 =	vshll.u32 v5, $0xE;
	v12 =	vshll.u32 v7, $0xE;
	vm1 =	vgt.s32 v7, $0x0  }
0x71: {  	vm11 =	vgt.s32 v4, $0x0;
	vm2 =	vgt.s32 v2, $0x0;
	v16 =	vshll.u32 v2, $0xE  }
0x72: {  	vm12 =	vgt.s32 v3, $0x0;
	vm13 =	vgt.s32 v10, $0x0;
	v19 =	vshll.u32 v10, $0xE  }
0x73: {  	vm14 =	vgt.s32 v9, $0x0;
	vm15 =	vgt.s32 v6, $0x0;
	v11 =	vnsel vm0, $0x0, v5  }
0x74: {  	v13 =	vnsel vm1, $0x0, v7;
	v15 =	vnsel vm2, $0x0, v2;
	v18 =	vnsel vm13, $0x0, v10  }
0x75: {  	v14 =	vshrl.u32 v13, $0x11;
	v13 =	vshll.u32 v3, $0xE;
	v17 =	vshrl.u32 v11, $0x11  }
0x76: {  	v11 =	vnsel vm14, $0x0, v9;
	v20 =	vand.u32 $0x4000, v13;
	v13 =	vshll.u32 v9, $0xE  }
0x77: {  	v19 =	vand.u32 $0x4000, v19;
	v11 =	vshrl.u32 v11, $0x11;
	v13 =	vand.u32 $0x4000, v13  }
0x78: {  	v23 =	vnsel vm12, $0x0, v3;
	v24 =	vnsel vm15, $0x0, v6;
	v22 =	vor.u32 v13, v11  }
0x79: {  	v25 =	vand.u32 $0x4000, v12;
	v21 =	vand.u32 $0x4000, v21;
	v23 =	vshrl.u32 v23, $0x11  }
0x7a: {  	v18 =	vshrl.u32 v18, $0x11;
	v24 =	vshrl.u32 v24, $0x11;
	v12 =	vor.u32 v20, v23  }
0x7b: {  	v20 =	vor.u32 v25, v14;
	v14 =	vnsel vm11, $0x0, v4;
	v11 =	vshll.u32 v6, $0xE  }
0x7c: {  	v18 =	vor.u32 v19, v18;
	v19 =	vshrl.u32 v14, $0x11;
	v23 =	vand.u32 $0x4000, v11  }
0x7d: {  	s16 =	simm.s32 $0x140C0;
	s15 =	simm.s32 $0x0;
	v13 =	vor.u32 $0x8000, v22;
	v11 =	vor.u32 $0x8000, v12;
	v14 =	vor.u32 v23, v24;
	[tilespmem:v22+s2+$0x0] =	vst.idx.add.f32.msk $0xffff, v1  }
.LBB2_6:
0x7e: {  	v22 =	vld [tilespmem:s16+$0xFFFFFFD0];
	s15 =	sadd.s32 $0x8, s15;
	v23 =	vor.u32 $0x8000, v18;
	v17 =	vor.u32 v21, v17;
	v21 =	vor.u32 $0x8000, v20  }
0x7f: {  	v15 =	vshrl.u32 v15, $0x11;
	v16 =	vand.u32 $0x4000, v16;
	v24 =	vld [tilespmem:s16+$0xFFFFFFC0];
	p0 =	slt.u32 s15, $0x3F8;
	v25 =	vor.u32 $0x8000, v17  }
0x80: {  	v26 =	vor.u32 v16, v15;
	[tilespmem:v20+s2+$0x0] =	vst.idx.add.f32.msk $0xffff, v1  }
0x81: {  	v20 =	vor.u32 $0x8000, v26;
	v15 =	vld [tilespmem:s16+$0x20]  }
0x82: {  	v16 =	vld [tilespmem:s16+$0x30]  }
0x83: {  	v27 =	vmax.f32 v4, $0.0e+00;
	v28 =	vmax.f32 v3, $0.0e+00;
	[tilespmem:v17+s2+$0x0] =	vst.idx.add.f32.msk $0xffff, v1  }
0x84: {  	v29 =	vmax.f32 v2, $0.0e+00;
	v17 =	vand.u32 $0x4000, v8;
	v8 =	vshll.u32 v24, $0xE;
	v2 =	vld [tilespmem:s16+$0xFFFFFFE0];
	v4 =	vmovc v24  }
0x85: {  	v19 =	vor.u32 v17, v19;
	v17 =	vmax.f32 v9, $0.0e+00;
	v24 =	vmax.f32 v5, $0.0e+00;
	v9 =	vmovc v22;
	v3 =	vld [tilespmem:s16+$0xFFFFFFF0]  }
0x86: {  	v31 =	vor.u32 $0x8000, v19;
	v22 =	vld [tilespmem:s16+$0x0];
	vm0 =	vgt.s32 v15, $0x0;
	v30 =	vshll.u32 v15, $0xE;
	v5 =	vmovc v15  }
0x87: {  	v15 =	vmax.f32 v7, $0.0e+00;
	v32 =	vnsel vm0, $0x0, v5;
	v33 =	vshll.u32 v16, $0xE;
	[tilespmem:v18+s2+$0x0] =	vst.idx.add.f32.msk $0xffff, v1;
	v7 =	vmovc v16  }
0x88: {  	v34 =	vmax.f32 v6, $0.0e+00;
	v18 =	vmax.f32 v10, $0.0e+00;
	vm1 =	vgt.s32 v7, $0x0;
	[tilespmem:v21+s2+$0x0] =	vst.idx.add.f32.msk $0xffff, v15  }
0x89: {  	vm0 =	vgt.s32 v4, $0x0;
	vm2 =	vgt.s32 v2, $0x0;
	v6 =	vld [tilespmem:s16+$0x10];
	v35 =	vnsel vm1, $0x0, v7  }
0x8a: {  	v16 =	vshll.u32 v2, $0xE;
	v15 =	vnsel vm2, $0x0, v2;
	v21 =	vshrl.u32 v35, $0x11;
	[tilespmem:v26+s2+$0x0] =	vst.idx.add.f32.msk $0xffff, v1  }
0x8b: {  	vm1 =	vgt.s32 v3, $0x0;
	v26 =	vshll.u32 v3, $0xE;
	vm2 =	vgt.s32 v22, $0x0;
	[tilespmem:v13+s2+$0x0] =	vst.idx.add.f32.msk $0xffff, v17;
	v10 =	vmovc v22  }
0x8c: {  	v13 =	vnsel vm2, $0x0, v10;
	v22 =	vshll.u32 v10, $0xE;
	[tilespmem:v23+s2+$0x0] =	vst.idx.add.f32.msk $0xffff, v18;
	v18 =	vor.u32 $0x8000, v14  }
0x8d: {  	v17 =	vshrl.u32 v32, $0x11;
	vm2 =	vgt.s32 v9, $0x0;
	v23 =	vand.u32 $0x4000, v26;
	[tilespmem:v25+s2+$0x0] =	vst.idx.add.f32.msk $0xffff, v24  }
0x8e: {  	v24 =	vnsel vm2, $0x0, v9;
	v25 =	vshll.u32 v9, $0xE;
	vm2 =	vgt.s32 v6, $0x0;
	[tilespmem:v14+s2+$0x0] =	vst.idx.add.f32.msk $0xffff, v1  }
0x8f: {  	v22 =	vand.u32 $0x4000, v22;
	v14 =	vshrl.u32 v24, $0x11;
	v24 =	vand.u32 $0x4000, v25;
	[tilespmem:v12+s2+$0x0] =	vst.idx.add.f32.msk $0xffff, v1  }
0x90: {  	v25 =	vshll.u32 v6, $0xE;
	v14 =	vor.u32 v24, v14;
	v24 =	vshrl.u32 v13, $0x11;
	[tilespmem:v19+s2+$0x0] =	vst.idx.add.f32.msk $0xffff, v1  }
.Ltmp2:
0x91: {  	v12 =	vnsel vm1, $0x0, v3;
	v13 =	vor.u32 $0x8000, v14;
	v19 =	vnsel vm2, $0x0, v6;
	[tilespmem:v31+s2+$0x0] =	vst.idx.add.f32.msk $0xffff, v27;
	(pc) =	sbr.rel @p0 .LBB2_6-.Ltmp2, $4  }
0x92: {  	v12 =	vshrl.u32 v12, $0x11;
	v26 =	vshrl.u32 v19, $0x11;
	v19 =	vand.u32 $0x4000, v33;
	[tilespmem:v20+s2+$0x0] =	vst.idx.add.f32.msk $0xffff, v29  }
0x93: {  	v12 =	vor.u32 v23, v12;
	v23 =	vand.u32 $0x4000, v25;
	v20 =	vor.u32 v19, v21;
	[tilespmem:v18+s2+$0x0] =	vst.idx.add.f32.msk $0xffff, v34  }
0x94: {  	v19 =	vnsel vm0, $0x0, v4;
	v18 =	vor.u32 v22, v24;
	[tilespmem:v11+s2+$0x0] =	vst.idx.add.f32.msk $0xffff, v28;
	v11 =	vor.u32 $0x8000, v12  }
0x95: {  	s16 =	sadd.s32 $0x80, s16;
	v21 =	vand.u32 $0x4000, v30;
	v19 =	vshrl.u32 v19, $0x11;
	[tilespmem:v14+s2+$0x0] =	vst.idx.add.f32.msk $0xffff, v1;
	v14 =	vor.u32 v23, v26  }
0x96: {  	_ =	sdelay $0x1  }
0x97: {  	v17 =	vor.u32 v21, v17  }
0x98: {  	v21 =	vor.u32 $0x8000, v20  }
0x99: {  	v15 =	vshrl.u32 v15, $0x11;
	v16 =	vand.u32 $0x4000, v16;
	[tilespmem:v20+s2+$0x0] =	vst.idx.add.f32.msk $0xffff, v1  }
0x9a: {  	[tilespmem:v18+s2+$0x0] =	vst.idx.add.f32.msk $0xffff, v1;
	v15 =	vor.u32 v16, v15;
	v16 =	vor.u32 $0x8000, v18  }
0x9b: {  	[tilespmem:v14+s2+$0x0] =	vst.idx.add.f32.msk $0xffff, v1  }
0x9c: {  	v7 =	vmax.f32 v7, $0.0e+00;
	[tilespmem:v17+s2+$0x0] =	vst.idx.add.f32.msk $0xffff, v1  }
0x9d: {  	v17 =	vor.u32 $0x8000, v17;
	[tilespmem:v21+s2+$0x0] =	vst.idx.add.f32.msk $0xffff, v7;
	v7 =	vand.u32 $0x4000, v8  }
0x9e: {  	[tilespmem:v12+s2+$0x0] =	vst.idx.add.f32.msk $0xffff, v1;
	v8 =	vmax.f32 v9, $0.0e+00;
	v9 =	vmax.f32 v10, $0.0e+00;
	v7 =	vor.u32 v7, v19  }
0x9f: {  	[tilespmem:v16+s2+$0x0] =	vst.idx.add.f32.msk $0xffff, v9;
	v9 =	vor.u32 $0x8000, v15  }
0xa0: {  	[tilespmem:v13+s2+$0x0] =	vst.idx.add.f32.msk $0xffff, v8;
	v8 =	vor.u32 $0x8000, v7  }
0xa1: {  	v5 =	vmax.f32 v5, $0.0e+00;
	[tilespmem:v15+s2+$0x0] =	vst.idx.add.f32.msk $0xffff, v1  }
0xa2: {  	[tilespmem:v17+s2+$0x0] =	vst.idx.add.f32.msk $0xffff, v5;
	v5 =	vor.u32 $0x8000, v14  }
0xa3: {  	v2 =	vmax.f32 v2, $0.0e+00;
	[tilespmem:v7+s2+$0x0] =	vst.idx.add.f32.msk $0xffff, v1  }
0xa4: {  	v4 =	vmax.f32 v4, $0.0e+00;
	[tilespmem:v9+s2+$0x0] =	vst.idx.add.f32.msk $0xffff, v2  }
0xa5: {  	v2 =	vmax.f32 v3, $0.0e+00;
	[tilespmem:v8+s2+$0x0] =	vst.idx.add.f32.msk $0xffff, v4  }
0xa6: {  	v4 =	vmax.f32 v6, $0.0e+00;
	[tilespmem:v11+s2+$0x0] =	vst.idx.add.f32.msk $0xffff, v2  }
0xa7: {  	[tilespmem:v5+s2+$0x0] =	vst.idx.add.f32.msk $0xffff, v4  }
0xa8: {  	[tilespmem:s10], [sflag:$0x2] =	stream.linear.gather [hbm4b:s6+s2], $0x4000, $0x38;
	[tilespmem:$0x18000] =	vst v63  }
0xa9: {  	_ =	swait.ge [sflag:s11], $0x4000  }
0xaa: {  	[sflag:s11] =	ssyncset.done $0x0  }
0xab: {  	s15 =	simm.s32 $0x10040;
	[sflag:s11] =	ssyncadd.s32 $0xFFFFC000  }
0xac: {  	v4 =	vld [tilespmem:s15+$0xFFFFFFC0]  }
0xad: {  	v5 =	vld [tilespmem:s15+$0x20]  }
0xae: {  	v7 =	vld [tilespmem:s15+$0x30]  }
0xaf: {  	v2 =	vld [tilespmem:s15+$0xFFFFFFE0]  }
0xb0: {  	v3 =	vld [tilespmem:s15+$0xFFFFFFF0]  }
0xb1: {  	v10 =	vld [tilespmem:s15+$0x0]  }
0xb2: {  	v9 =	vld [tilespmem:s15+$0xFFFFFFD0]  }
0xb3: {  	v6 =	vld [tilespmem:s15+$0x10]  }
0xb4: {  	v8 =	vshll.u32 v4, $0xE;
	vm0 =	vgt.s32 v5, $0x0  }
0xb5: {  	v21 =	vshll.u32 v5, $0xE;
	v12 =	vshll.u32 v7, $0xE;
	vm1 =	vgt.s32 v7, $0x0  }
0xb6: {  	vm11 =	vgt.s32 v4, $0x0;
	vm2 =	vgt.s32 v2, $0x0;
	v16 =	vshll.u32 v2, $0xE  }
0xb7: {  	vm12 =	vgt.s32 v3, $0x0;
	vm13 =	vgt.s32 v10, $0x0;
	v19 =	vshll.u32 v10, $0xE  }
0xb8: {  	vm14 =	vgt.s32 v9, $0x0;
	vm15 =	vgt.s32 v6, $0x0;
	v11 =	vnsel vm0, $0x0, v5  }
0xb9: {  	v13 =	vnsel vm1, $0x0, v7;
	v15 =	vnsel vm2, $0x0, v2;
	v18 =	vnsel vm13, $0x0, v10  }
0xba: {  	v14 =	vshrl.u32 v13, $0x11;
	v13 =	vshll.u32 v3, $0xE;
	v17 =	vshrl.u32 v11, $0x11  }
0xbb: {  	v11 =	vnsel vm14, $0x0, v9;
	v20 =	vand.u32 $0x4000, v13;
	v13 =	vshll.u32 v9, $0xE  }
0xbc: {  	v19 =	vand.u32 $0x4000, v19;
	v11 =	vshrl.u32 v11, $0x11;
	v13 =	vand.u32 $0x4000, v13  }
0xbd: {  	v23 =	vnsel vm12, $0x0, v3;
	v24 =	vnsel vm15, $0x0, v6;
	v22 =	vor.u32 v13, v11  }
0xbe: {  	v25 =	vand.u32 $0x4000, v12;
	v21 =	vand.u32 $0x4000, v21;
	v23 =	vshrl.u32 v23, $0x11  }
0xbf: {  	v18 =	vshrl.u32 v18, $0x11;
	v24 =	vshrl.u32 v24, $0x11;
	v12 =	vor.u32 v20, v23  }
0xc0: {  	v20 =	vor.u32 v25, v14;
	v14 =	vnsel vm11, $0x0, v4;
	v11 =	vshll.u32 v6, $0xE  }
0xc1: {  	v18 =	vor.u32 v19, v18;
	v19 =	vshrl.u32 v14, $0x11;
	v23 =	vand.u32 $0x4000, v11  }
0xc2: {  	s16 =	simm.s32 $0x100C0;
	s15 =	simm.s32 $0x0;
	v13 =	vor.u32 $0x8000, v22;
	v11 =	vor.u32 $0x8000, v12;
	v14 =	vor.u32 v23, v24;
	[tilespmem:v22+s2+$0x0] =	vst.idx.add.f32.msk $0xffff, v1  }
.LBB2_8:
0xc3: {  	v22 =	vld [tilespmem:s16+$0xFFFFFFD0];
	s15 =	sadd.s32 $0x8, s15;
	v23 =	vor.u32 $0x8000, v18;
	v17 =	vor.u32 v21, v17;
	v21 =	vor.u32 $0x8000, v20  }
0xc4: {  	v15 =	vshrl.u32 v15, $0x11;
	v16 =	vand.u32 $0x4000, v16;
	v24 =	vld [tilespmem:s16+$0xFFFFFFC0];
	p0 =	slt.u32 s15, $0x3F8;
	v25 =	vor.u32 $0x8000, v17  }
0xc5: {  	v26 =	vor.u32 v16, v15;
	[tilespmem:v20+s2+$0x0] =	vst.idx.add.f32.msk $0xffff, v1  }
0xc6: {  	v20 =	vor.u32 $0x8000, v26;
	v15 =	vld [tilespmem:s16+$0x20]  }
0xc7: {  	v16 =	vld [tilespmem:s16+$0x30]  }
0xc8: {  	v27 =	vmax.f32 v4, $0.0e+00;
	v28 =	vmax.f32 v3, $0.0e+00;
	[tilespmem:v17+s2+$0x0] =	vst.idx.add.f32.msk $0xffff, v1  }
0xc9: {  	v29 =	vmax.f32 v2, $0.0e+00;
	v17 =	vand.u32 $0x4000, v8;
	v8 =	vshll.u32 v24, $0xE;
	v2 =	vld [tilespmem:s16+$0xFFFFFFE0];
	v4 =	vmovc v24  }
0xca: {  	v19 =	vor.u32 v17, v19;
	v17 =	vmax.f32 v9, $0.0e+00;
	v24 =	vmax.f32 v5, $0.0e+00;
	v9 =	vmovc v22;
	v3 =	vld [tilespmem:s16+$0xFFFFFFF0]  }
0xcb: {  	v31 =	vor.u32 $0x8000, v19;
	v22 =	vld [tilespmem:s16+$0x0];
	vm0 =	vgt.s32 v15, $0x0;
	v30 =	vshll.u32 v15, $0xE;
	v5 =	vmovc v15  }
0xcc: {  	v15 =	vmax.f32 v7, $0.0e+00;
	v32 =	vnsel vm0, $0x0, v5;
	v33 =	vshll.u32 v16, $0xE;
	[tilespmem:v18+s2+$0x0] =	vst.idx.add.f32.msk $0xffff, v1;
	v7 =	vmovc v16  }
0xcd: {  	v34 =	vmax.f32 v6, $0.0e+00;
	v18 =	vmax.f32 v10, $0.0e+00;
	vm1 =	vgt.s32 v7, $0x0;
	[tilespmem:v21+s2+$0x0] =	vst.idx.add.f32.msk $0xffff, v15  }
0xce: {  	vm0 =	vgt.s32 v4, $0x0;
	vm2 =	vgt.s32 v2, $0x0;
	v6 =	vld [tilespmem:s16+$0x10];
	v35 =	vnsel vm1, $0x0, v7  }
0xcf: {  	v16 =	vshll.u32 v2, $0xE;
	v15 =	vnsel vm2, $0x0, v2;
	v21 =	vshrl.u32 v35, $0x11;
	[tilespmem:v26+s2+$0x0] =	vst.idx.add.f32.msk $0xffff, v1  }
0xd0: {  	vm1 =	vgt.s32 v3, $0x0;
	v26 =	vshll.u32 v3, $0xE;
	vm2 =	vgt.s32 v22, $0x0;
	[tilespmem:v13+s2+$0x0] =	vst.idx.add.f32.msk $0xffff, v17;
	v10 =	vmovc v22  }
0xd1: {  	v13 =	vnsel vm2, $0x0, v10;
	v22 =	vshll.u32 v10, $0xE;
	[tilespmem:v23+s2+$0x0] =	vst.idx.add.f32.msk $0xffff, v18;
	v18 =	vor.u32 $0x8000, v14  }
0xd2: {  	v17 =	vshrl.u32 v32, $0x11;
	vm2 =	vgt.s32 v9, $0x0;
	v23 =	vand.u32 $0x4000, v26;
	[tilespmem:v25+s2+$0x0] =	vst.idx.add.f32.msk $0xffff, v24  }
0xd3: {  	v24 =	vnsel vm2, $0x0, v9;
	v25 =	vshll.u32 v9, $0xE;
	vm2 =	vgt.s32 v6, $0x0;
	[tilespmem:v14+s2+$0x0] =	vst.idx.add.f32.msk $0xffff, v1  }
0xd4: {  	v22 =	vand.u32 $0x4000, v22;
	v14 =	vshrl.u32 v24, $0x11;
	v24 =	vand.u32 $0x4000, v25;
	[tilespmem:v12+s2+$0x0] =	vst.idx.add.f32.msk $0xffff, v1  }
0xd5: {  	v25 =	vshll.u32 v6, $0xE;
	v14 =	vor.u32 v24, v14;
	v24 =	vshrl.u32 v13, $0x11;
	[tilespmem:v19+s2+$0x0] =	vst.idx.add.f32.msk $0xffff, v1  }
.Ltmp3:
0xd6: {  	v12 =	vnsel vm1, $0x0, v3;
	v13 =	vor.u32 $0x8000, v14;
	v19 =	vnsel vm2, $0x0, v6;
	[tilespmem:v31+s2+$0x0] =	vst.idx.add.f32.msk $0xffff, v27;
	(pc) =	sbr.rel @p0 .LBB2_8-.Ltmp3, $4  }
0xd7: {  	v12 =	vshrl.u32 v12, $0x11;
	v26 =	vshrl.u32 v19, $0x11;
	v19 =	vand.u32 $0x4000, v33;
	[tilespmem:v20+s2+$0x0] =	vst.idx.add.f32.msk $0xffff, v29  }
0xd8: {  	v12 =	vor.u32 v23, v12;
	v23 =	vand.u32 $0x4000, v25;
	v20 =	vor.u32 v19, v21;
	[tilespmem:v18+s2+$0x0] =	vst.idx.add.f32.msk $0xffff, v34  }
0xd9: {  	v19 =	vnsel vm0, $0x0, v4;
	v18 =	vor.u32 v22, v24;
	[tilespmem:v11+s2+$0x0] =	vst.idx.add.f32.msk $0xffff, v28;
	v11 =	vor.u32 $0x8000, v12  }
0xda: {  	s16 =	sadd.s32 $0x80, s16;
	v21 =	vand.u32 $0x4000, v30;
	v19 =	vshrl.u32 v19, $0x11;
	[tilespmem:v14+s2+$0x0] =	vst.idx.add.f32.msk $0xffff, v1;
	v14 =	vor.u32 v23, v26  }
0xdb: {  	_ =	sdelay $0x1  }
0xdc: {  	v17 =	vor.u32 v21, v17  }
0xdd: {  	v21 =	vor.u32 $0x8000, v20  }
0xde: {  	v15 =	vshrl.u32 v15, $0x11;
	v16 =	vand.u32 $0x4000, v16;
	[tilespmem:v20+s2+$0x0] =	vst.idx.add.f32.msk $0xffff, v1  }
0xdf: {  	[tilespmem:v18+s2+$0x0] =	vst.idx.add.f32.msk $0xffff, v1;
	v15 =	vor.u32 v16, v15;
	v16 =	vor.u32 $0x8000, v18  }
0xe0: {  	[tilespmem:v14+s2+$0x0] =	vst.idx.add.f32.msk $0xffff, v1  }
0xe1: {  	v7 =	vmax.f32 v7, $0.0e+00;
	[tilespmem:v17+s2+$0x0] =	vst.idx.add.f32.msk $0xffff, v1  }
0xe2: {  	v17 =	vor.u32 $0x8000, v17;
	[tilespmem:v21+s2+$0x0] =	vst.idx.add.f32.msk $0xffff, v7;
	v7 =	vand.u32 $0x4000, v8  }
0xe3: {  	[tilespmem:v12+s2+$0x0] =	vst.idx.add.f32.msk $0xffff, v1;
	v8 =	vmax.f32 v9, $0.0e+00;
	v9 =	vmax.f32 v10, $0.0e+00;
	v7 =	vor.u32 v7, v19  }
0xe4: {  	[tilespmem:v16+s2+$0x0] =	vst.idx.add.f32.msk $0xffff, v9;
	v9 =	vor.u32 $0x8000, v15  }
0xe5: {  	[tilespmem:v13+s2+$0x0] =	vst.idx.add.f32.msk $0xffff, v8;
	v8 =	vor.u32 $0x8000, v7  }
0xe6: {  	v5 =	vmax.f32 v5, $0.0e+00;
	[tilespmem:v15+s2+$0x0] =	vst.idx.add.f32.msk $0xffff, v1  }
0xe7: {  	[tilespmem:v17+s2+$0x0] =	vst.idx.add.f32.msk $0xffff, v5;
	v5 =	vor.u32 $0x8000, v14  }
0xe8: {  	v2 =	vmax.f32 v2, $0.0e+00;
	[tilespmem:v7+s2+$0x0] =	vst.idx.add.f32.msk $0xffff, v1  }
0xe9: {  	v4 =	vmax.f32 v4, $0.0e+00;
	[tilespmem:v9+s2+$0x0] =	vst.idx.add.f32.msk $0xffff, v2  }
0xea: {  	v2 =	vmax.f32 v3, $0.0e+00;
	[tilespmem:v8+s2+$0x0] =	vst.idx.add.f32.msk $0xffff, v4  }
0xeb: {  	v4 =	vmax.f32 v6, $0.0e+00;
	[tilespmem:v11+s2+$0x0] =	vst.idx.add.f32.msk $0xffff, v2  }
0xec: {  	[tilespmem:v5+s2+$0x0] =	vst.idx.add.f32.msk $0xffff, v4  }
0xed: {  	_ =	swait.ge [sflag:s12], $0x4000  }
0xee: {  	[sflag:s12] =	ssyncset.done $0x0  }
0xef: {  	s15 =	simm.s32 $0x14040;
	[sflag:s12] =	ssyncadd.s32 $0xFFFFC000  }
0xf0: {  	v4 =	vld [tilespmem:s15+$0xFFFFFFC0]  }
0xf1: {  	v5 =	vld [tilespmem:s15+$0x20]  }
0xf2: {  	v7 =	vld [tilespmem:s15+$0x30]  }
0xf3: {  	v2 =	vld [tilespmem:s15+$0xFFFFFFE0]  }
0xf4: {  	v3 =	vld [tilespmem:s15+$0xFFFFFFF0]  }
0xf5: {  	v10 =	vld [tilespmem:s15+$0x0]  }
0xf6: {  	v9 =	vld [tilespmem:s15+$0xFFFFFFD0]  }
0xf7: {  	v6 =	vld [tilespmem:s15+$0x10]  }
0xf8: {  	v8 =	vshll.u32 v4, $0xE;
	vm0 =	vgt.s32 v5, $0x0  }
0xf9: {  	v21 =	vshll.u32 v5, $0xE;
	v12 =	vshll.u32 v7, $0xE;
	vm1 =	vgt.s32 v7, $0x0  }
0xfa: {  	vm11 =	vgt.s32 v4, $0x0;
	vm2 =	vgt.s32 v2, $0x0;
	v16 =	vshll.u32 v2, $0xE  }
0xfb: {  	vm12 =	vgt.s32 v3, $0x0;
	vm13 =	vgt.s32 v10, $0x0;
	v19 =	vshll.u32 v10, $0xE  }
0xfc: {  	vm14 =	vgt.s32 v9, $0x0;
	vm15 =	vgt.s32 v6, $0x0;
	v11 =	vnsel vm0, $0x0, v5  }
0xfd: {  	v13 =	vnsel vm1, $0x0, v7;
	v15 =	vnsel vm2, $0x0, v2;
	v18 =	vnsel vm13, $0x0, v10  }
0xfe: {  	v14 =	vshrl.u32 v13, $0x11;
	v13 =	vshll.u32 v3, $0xE;
	v17 =	vshrl.u32 v11, $0x11  }
0xff: {  	v11 =	vnsel vm14, $0x0, v9;
	v20 =	vand.u32 $0x4000, v13;
	v13 =	vshll.u32 v9, $0xE  }
0x100: {  	v19 =	vand.u32 $0x4000, v19;
	v11 =	vshrl.u32 v11, $0x11;
	v13 =	vand.u32 $0x4000, v13  }
0x101: {  	v23 =	vnsel vm12, $0x0, v3;
	v24 =	vnsel vm15, $0x0, v6;
	v22 =	vor.u32 v13, v11  }
0x102: {  	v25 =	vand.u32 $0x4000, v12;
	v21 =	vand.u32 $0x4000, v21;
	v23 =	vshrl.u32 v23, $0x11  }
0x103: {  	v18 =	vshrl.u32 v18, $0x11;
	v24 =	vshrl.u32 v24, $0x11;
	v12 =	vor.u32 v20, v23  }
0x104: {  	v20 =	vor.u32 v25, v14;
	v14 =	vnsel vm11, $0x0, v4;
	v11 =	vshll.u32 v6, $0xE  }
0x105: {  	v18 =	vor.u32 v19, v18;
	v19 =	vshrl.u32 v14, $0x11;
	v23 =	vand.u32 $0x4000, v11  }
0x106: {  	s16 =	simm.s32 $0x140C0;
	s15 =	simm.s32 $0x0;
	v13 =	vor.u32 $0x8000, v22;
	v11 =	vor.u32 $0x8000, v12;
	v14 =	vor.u32 v23, v24;
	[tilespmem:v22+s2+$0x0] =	vst.idx.add.f32.msk $0xffff, v1  }
.LBB2_10:
0x107: {  	v22 =	vld [tilespmem:s16+$0xFFFFFFD0];
	s15 =	sadd.s32 $0x8, s15;
	v23 =	vor.u32 $0x8000, v18;
	v17 =	vor.u32 v21, v17;
	v21 =	vor.u32 $0x8000, v20  }
0x108: {  	v15 =	vshrl.u32 v15, $0x11;
	v16 =	vand.u32 $0x4000, v16;
	v24 =	vld [tilespmem:s16+$0xFFFFFFC0];
	p0 =	slt.u32 s15, $0x3F8;
	v25 =	vor.u32 $0x8000, v17  }
0x109: {  	v26 =	vor.u32 v16, v15;
	[tilespmem:v20+s2+$0x0] =	vst.idx.add.f32.msk $0xffff, v1  }
0x10a: {  	v20 =	vor.u32 $0x8000, v26;
	v15 =	vld [tilespmem:s16+$0x20]  }
0x10b: {  	v16 =	vld [tilespmem:s16+$0x30]  }
0x10c: {  	v27 =	vmax.f32 v4, $0.0e+00;
	v28 =	vmax.f32 v3, $0.0e+00;
	[tilespmem:v17+s2+$0x0] =	vst.idx.add.f32.msk $0xffff, v1  }
0x10d: {  	v29 =	vmax.f32 v2, $0.0e+00;
	v17 =	vand.u32 $0x4000, v8;
	v8 =	vshll.u32 v24, $0xE;
	v2 =	vld [tilespmem:s16+$0xFFFFFFE0];
	v4 =	vmovc v24  }
0x10e: {  	v19 =	vor.u32 v17, v19;
	v17 =	vmax.f32 v9, $0.0e+00;
	v24 =	vmax.f32 v5, $0.0e+00;
	v9 =	vmovc v22;
	v3 =	vld [tilespmem:s16+$0xFFFFFFF0]  }
0x10f: {  	v31 =	vor.u32 $0x8000, v19;
	v22 =	vld [tilespmem:s16+$0x0];
	vm0 =	vgt.s32 v15, $0x0;
	v30 =	vshll.u32 v15, $0xE;
	v5 =	vmovc v15  }
0x110: {  	v15 =	vmax.f32 v7, $0.0e+00;
	v32 =	vnsel vm0, $0x0, v5;
	v33 =	vshll.u32 v16, $0xE;
	[tilespmem:v18+s2+$0x0] =	vst.idx.add.f32.msk $0xffff, v1;
	v7 =	vmovc v16  }
0x111: {  	v34 =	vmax.f32 v6, $0.0e+00;
	v18 =	vmax.f32 v10, $0.0e+00;
	vm1 =	vgt.s32 v7, $0x0;
	[tilespmem:v21+s2+$0x0] =	vst.idx.add.f32.msk $0xffff, v15  }
0x112: {  	vm0 =	vgt.s32 v4, $0x0;
	vm2 =	vgt.s32 v2, $0x0;
	v6 =	vld [tilespmem:s16+$0x10];
	v35 =	vnsel vm1, $0x0, v7  }
0x113: {  	v16 =	vshll.u32 v2, $0xE;
	v15 =	vnsel vm2, $0x0, v2;
	v21 =	vshrl.u32 v35, $0x11;
	[tilespmem:v26+s2+$0x0] =	vst.idx.add.f32.msk $0xffff, v1  }
0x114: {  	vm1 =	vgt.s32 v3, $0x0;
	v26 =	vshll.u32 v3, $0xE;
	vm2 =	vgt.s32 v22, $0x0;
	[tilespmem:v13+s2+$0x0] =	vst.idx.add.f32.msk $0xffff, v17;
	v10 =	vmovc v22  }
0x115: {  	v13 =	vnsel vm2, $0x0, v10;
	v22 =	vshll.u32 v10, $0xE;
	[tilespmem:v23+s2+$0x0] =	vst.idx.add.f32.msk $0xffff, v18;
	v18 =	vor.u32 $0x8000, v14  }
0x116: {  	v17 =	vshrl.u32 v32, $0x11;
	vm2 =	vgt.s32 v9, $0x0;
	v23 =	vand.u32 $0x4000, v26;
	[tilespmem:v25+s2+$0x0] =	vst.idx.add.f32.msk $0xffff, v24  }
0x117: {  	v24 =	vnsel vm2, $0x0, v9;
	v25 =	vshll.u32 v9, $0xE;
	vm2 =	vgt.s32 v6, $0x0;
	[tilespmem:v14+s2+$0x0] =	vst.idx.add.f32.msk $0xffff, v1  }
0x118: {  	v22 =	vand.u32 $0x4000, v22;
	v14 =	vshrl.u32 v24, $0x11;
	v24 =	vand.u32 $0x4000, v25;
	[tilespmem:v12+s2+$0x0] =	vst.idx.add.f32.msk $0xffff, v1  }
0x119: {  	v25 =	vshll.u32 v6, $0xE;
	v14 =	vor.u32 v24, v14;
	v24 =	vshrl.u32 v13, $0x11;
	[tilespmem:v19+s2+$0x0] =	vst.idx.add.f32.msk $0xffff, v1  }
.Ltmp4:
0x11a: {  	v12 =	vnsel vm1, $0x0, v3;
	v13 =	vor.u32 $0x8000, v14;
	v19 =	vnsel vm2, $0x0, v6;
	[tilespmem:v31+s2+$0x0] =	vst.idx.add.f32.msk $0xffff, v27;
	(pc) =	sbr.rel @p0 .LBB2_10-.Ltmp4, $4  }
0x11b: {  	v12 =	vshrl.u32 v12, $0x11;
	v26 =	vshrl.u32 v19, $0x11;
	v19 =	vand.u32 $0x4000, v33;
	[tilespmem:v20+s2+$0x0] =	vst.idx.add.f32.msk $0xffff, v29  }
0x11c: {  	v12 =	vor.u32 v23, v12;
	v23 =	vand.u32 $0x4000, v25;
	v20 =	vor.u32 v19, v21;
	[tilespmem:v18+s2+$0x0] =	vst.idx.add.f32.msk $0xffff, v34  }
0x11d: {  	v19 =	vnsel vm0, $0x0, v4;
	v18 =	vor.u32 v22, v24;
	[tilespmem:v11+s2+$0x0] =	vst.idx.add.f32.msk $0xffff, v28;
	v11 =	vor.u32 $0x8000, v12  }
0x11e: {  	s16 =	sadd.s32 $0x80, s16;
	v21 =	vand.u32 $0x4000, v30;
	v19 =	vshrl.u32 v19, $0x11;
	[tilespmem:v14+s2+$0x0] =	vst.idx.add.f32.msk $0xffff, v1;
	v14 =	vor.u32 v23, v26  }
0x11f: {  	_ =	sdelay $0x3  }
0x120: {  	v17 =	vor.u32 v21, v17;
	[tilespmem:v20+s2+$0x0] =	vst.idx.add.f32.msk $0xffff, v1  }
0x121: {  	v55 =	vor.u32 $0x8000, v20;
	[tilespmem:v18+s2+$0x0] =	vst.idx.add.f32.msk $0xffff, v1  }
0x122: {  	v15 =	vshrl.u32 v15, $0x11;
	v56 =	vor.u32 $0x8000, v18;
	[tilespmem:v14+s2+$0x0] =	vst.idx.add.f32.msk $0xffff, v1  }
0x123: {  	v16 =	vand.u32 $0x4000, v16;
	v58 =	vmax.f32 v9, $0.0e+00;
	v62 =	vor.u32 $0x8000, v14;
	[tilespmem:v12+s2+$0x0] =	vst.idx.add.f32.msk $0xffff, v1  }
0x124: {  	v15 =	vor.u32 v16, v15;
	[tilespmem:v13+s2+$0x0] =	vst.idx.add.f32.msk $0xffff, v58  }
0x125: {  	v7 =	vmax.f32 v7, $0.0e+00;
	v61 =	vor.u32 $0x8000, v15;
	[tilespmem:v17+s2+$0x0] =	vst.idx.add.f32.msk $0xffff, v1  }
0x126: {  	v59 =	vmax.f32 v10, $0.0e+00;
	[tilespmem:v55+s2+$0x0] =	vst.idx.add.f32.msk $0xffff, v7  }
0x127: {  	v57 =	vand.u32 $0x4000, v8;
	v63 =	vmax.f32 v6, $0.0e+00;
	v17 =	vor.u32 $0x8000, v17;
	[tilespmem:v56+s2+$0x0] =	vst.idx.add.f32.msk $0xffff, v59  }
0x128: {  	v7 =	vor.u32 v57, v19;
	[tilespmem:v62+s2+$0x0] =	vst.idx.add.f32.msk $0xffff, v63  }
0x129: {  	v2 =	vmax.f32 v2, $0.0e+00;
	[tilespmem:v15+s2+$0x0] =	vst.idx.add.f32.msk $0xffff, v1;
	v60 =	vor.u32 $0x8000, v7  }
0x12a: {  	[tilespmem:v61+s2+$0x0] =	vst.idx.add.f32.msk $0xffff, v2;
	v2 =	vmax.f32 v3, $0.0e+00  }
0x12b: {  	v5 =	vmax.f32 v5, $0.0e+00;
	[tilespmem:v11+s2+$0x0] =	vst.idx.add.f32.msk $0xffff, v2  }
0x12c: {  	s14 =	sadd.s32 $0x1, s14;
	[tilespmem:v17+s2+$0x0] =	vst.idx.add.f32.msk $0xffff, v5  }
0x12d: {  	v4 =	vmax.f32 v4, $0.0e+00;
	p0 =	sne.s32 s14, s8;
	[tilespmem:v7+s2+$0x0] =	vst.idx.add.f32.msk $0xffff, v1  }
.Ltmp5:
0x12e: {  	[tilespmem:v60+s2+$0x0] =	vst.idx.add.f32.msk $0xffff, v4;
	(pc) =	sbr.rel @p0 .LBB2_1-.Ltmp5, $4  }
0x12f: {  	[hbm4b:s7+s2] =	stream.linear.scatter [tilespmem:s2], [sflag:$0x3], $0x10000, $0x38;
	[tilespmem:$0x18000] =	vst v63  }
0x130: {  	_ =	swait.ge [sflag:s13], $0x10000  }
0x131: {  	[sflag:s13] =	ssyncset.done $0x0  }
0x132: {  	[sflag:s13] =	ssyncadd.s32 $0xFFFF0000  }
0x133: {  	_ =	sfence.sel $0x180000  }
0x134: {  	[bflag:$0x0] =	sbarrier.arrive $0xFFFF  }
0x135: {  	p0 =	sne.s32 s1, $0x0;
	_ =	strace $0x90000047  }
0x136: {  	s0 =	sadd.s32 @!p0 $0x100000, s0;
	[bflag:$0x2] =	sbarrier.arrive $0xFFFF  }
0x137: {  	[sflag:s0] =	ssyncadd.tile.s32 @!p0 $0x1;
	_ =	shalt  }
.Lfunc_end2:
_tile_overlayer_lowered:
.L_overlay_start_2:
0x138: {  	(tag) =	ssettag $0x2  }
0x139: {  	s0 =	rddreg [dreg:$0x0];
	s2 =	stileid.u32  }
0x13a: {  	s1 =	rddreg [dreg:$0x1];
	p0 =	sne.s32 s2, $0x0  }
0x13b: {  	s3 =	rddreg [dreg:$0x2];
	[bflag:$0x3] =	sbarrier.arrive $0xFFFF;
	s2 =	simm.s32 @!p0 $0x1C03  }
0x13c: {  	[timem:s3], [sflag:s2] =	dma.local @!p0 [hbm:s0], s1  }
0x13d: {  	s0 =	simm.s32 @!p0 $0x3  }
0x13e: {  	_ =	swait.ge @!p0 [sflag:s0], s1  }
0x13f: {  	s1 =	ssub.s32 @!p0 $0x0, s1;
	[sflag:s0] =	ssyncset.done @!p0 $0x0  }
0x140: {  	[sflag:s0] =	ssyncadd.s32 @!p0 s1  }
0x141: {  	[bflag:$0x3] =	sbarrier.arrive $0xFFFF  }
0x142: {  	_ =	shalt  }

</sc_bundles>
